<compile_context>
chip_gen: v7x
topology: tpu7x:2x2x1
jax: 0.10.2.dev20260603
libtpu: 0.0.44.dev20260713+nightly
codegen_flags: <defaults>
</compile_context>

<pallas_src>
import functools

import jax
import jax.numpy as jnp
from jax import lax
from jax.experimental import pallas as pl
from jax.experimental.pallas import tpu as pltpu
from jax.experimental.pallas import tpu_sc as plsc

N_NODES = 10000
N_EDGES = 160000
D = 128
A = 4
HIDDEN = 128
MLP_H = 64
AVG_NUM_NEIGHBORS = 16.0

NC = 2
NS = 16
NW = NC * NS
K = 64
N_CHUNKS = N_EDGES // K
NT_MAX = (N_CHUNKS + NW - 1) // NW
ZROWS = 40
NZCHUNKS = N_NODES // ZROWS

NB = 2000
EB = 6400


def _silu(v):
    return v * jax.nn.sigmoid(v)



def _node_body(nf_ref, na_ref, wsc_ref, wlin_ref, sc_ref, x_ref):
    nf = nf_ref[...]
    na = na_ref[...]
    x_ref[...] = jnp.dot(nf, wlin_ref[...], preferred_element_type=jnp.float32)
    acc = jnp.dot(nf * na[:, 0:1], wsc_ref[0], preferred_element_type=jnp.float32)
    for a in range(1, A):
        acc = acc + jnp.dot(nf * na[:, a:a + 1], wsc_ref[a],
                            preferred_element_type=jnp.float32)
    sc_ref[...] = acc


def _node_call(nf, na, wsc, wlin):
    grid = (N_NODES // NB,)
    return pl.pallas_call(
        _node_body,
        grid=grid,
        in_specs=[
            pl.BlockSpec((NB, D), lambda i: (i, 0)),
            pl.BlockSpec((NB, A), lambda i: (i, 0)),
            pl.BlockSpec((A, D, HIDDEN), lambda i: (0, 0, 0)),
            pl.BlockSpec((D, D), lambda i: (0, 0)),
        ],
        out_specs=[
            pl.BlockSpec((NB, HIDDEN), lambda i: (i, 0)),
            pl.BlockSpec((NB, D), lambda i: (i, 0)),
        ],
        out_shape=[
            jax.ShapeDtypeStruct((N_NODES, HIDDEN), jnp.float32),
            jax.ShapeDtypeStruct((N_NODES, D), jnp.float32),
        ],
    )(nf, na, wsc, wlin)



_TN = (((0,), (0,)), ((), ()))


def _edge_body(eft_ref, eat_ref, w1_ref, w2_ref, w3_ref, w4_ref, c_ref):
    ht = _silu(lax.dot_general(w1_ref[...], eft_ref[...], _TN,
                               preferred_element_type=jnp.float32))
    ht = _silu(lax.dot_general(w2_ref[...], ht, _TN,
                               preferred_element_type=jnp.float32))
    ht = _silu(lax.dot_general(w3_ref[...], ht, _TN,
                               preferred_element_type=jnp.float32))
    eat = eat_ref[...]
    het = jnp.concatenate([ht * eat[a:a + 1, :] for a in range(A)],
                          axis=0)
    cres = lax.dot_general(het.astype(jnp.bfloat16), w4_ref[...], _TN,
                           preferred_element_type=jnp.float32)
    ai = lax.bitcast_convert_type(cres[:, :D // 2].astype(jnp.bfloat16),
                                  jnp.uint16).astype(jnp.int32)
    bi = lax.bitcast_convert_type(cres[:, D // 2:].astype(jnp.bfloat16),
                                  jnp.uint16).astype(jnp.int32)
    c_ref[...] = ai | (bi << 16)


def _edge_call(eft, eat, w1, w2, w3, w4r):
    grid = (N_EDGES // EB,)
    return pl.pallas_call(
        _edge_body,
        grid=grid,
        in_specs=[
            pl.BlockSpec((8, EB), lambda i: (0, i)),
            pl.BlockSpec((A, EB), lambda i: (0, i)),
            pl.BlockSpec((8, MLP_H), lambda i: (0, 0)),
            pl.BlockSpec((MLP_H, MLP_H), lambda i: (0, 0)),
            pl.BlockSpec((MLP_H, MLP_H), lambda i: (0, 0)),
            pl.BlockSpec((A * MLP_H, D), lambda i: (0, 0)),
        ],
        out_specs=pl.BlockSpec((EB, D // 2), lambda i: (i, 0)),
        out_shape=jax.ShapeDtypeStruct((N_EDGES, D // 2), jnp.int32),
    )(eft, eat, w1, w2, w3, w4r)



@functools.lru_cache(maxsize=1)
def _sc_scatter_call():
    mesh = plsc.VectorSubcoreMesh(
        core_axis_name="c", subcore_axis_name="s",
        num_cores=NC, num_subcores=NS)
    return pl.kernel(
        _sc_scatter_body,
        mesh=mesh,
        out_type=jax.ShapeDtypeStruct((NC, N_NODES, D), jnp.float32),
        scratch_types=[
            [pltpu.VMEM((K,), jnp.int32)] * 2,
            [pltpu.VMEM((K,), jnp.int32)] * 2,
            [pltpu.VMEM((K, D // 2), jnp.int32)] * 2,
            [pltpu.VMEM((K, D), jnp.float32)] * 2,
            pltpu.VMEM((K, D), jnp.float32),
            pltpu.VMEM_SHARED((N_NODES, D), jnp.float32),
            [pltpu.SemaphoreType.DMA] * 2,
            [pltpu.SemaphoreType.DMA] * 2,
            [pltpu.SemaphoreType.DMA] * 2,
        ],
        compiler_params=pltpu.CompilerParams(needs_layout_passes=False),
    )


def _sc_scatter_body(x_hbm, c_hbm, snd_hbm, rcv_hbm, out_hbm,
                     sidx, ridx, cbuf, xsbuf, mji, acc, semi, seml, semg):
    cid = lax.axis_index("c")
    sid = lax.axis_index("s")
    wid = sid * NC + cid

    def zrow(i, _):
        for j in range(D // 16):
            mji[i, pl.ds(j * 16, 16)] = jnp.zeros((16,), jnp.float32)
        return 0
    lax.fori_loop(0, K, zrow, 0)

    nz_mine = (NZCHUNKS - sid + NS - 1) // NS

    def zchunk(t, _):
        base = (sid + t * NS) * ZROWS
        pltpu.sync_copy(mji.at[pl.ds(0, ZROWS)], acc.at[pl.ds(base, ZROWS)])
        return 0
    lax.fori_loop(0, nz_mine, zchunk, 0)

    plsc.subcore_barrier()

    n_mine = (N_CHUNKS - wid + NW - 1) // NW

    def issue(t, p):
        base = (wid + t * NW) * K
        pltpu.async_copy(snd_hbm.at[pl.ds(base, K)], sidx[p], semi[p])
        pltpu.async_copy(rcv_hbm.at[pl.ds(base, K)], ridx[p], seml[p])
        pltpu.async_copy(c_hbm.at[pl.ds(base, K)], cbuf[p], seml[p])
        pltpu.make_async_copy(snd_hbm.at[pl.ds(base, K)], sidx[p],
                              semi[p]).wait()
        pltpu.async_copy(x_hbm.at[sidx[p]], xsbuf[p], semg[p])

    issue(0, 0)

    def pair_body(u, _):
        for b in range(2):
            t = 2 * u + b
            p = b

            @pl.when(t + 1 < n_mine)
            def _():
                issue(t + 1, 1 - p)

            @pl.when(t < n_mine)
            def _():
                base = (wid + t * NW) * K
                pltpu.make_async_copy(rcv_hbm.at[pl.ds(base, K)], ridx[p],
                                      seml[p]).wait()
                pltpu.make_async_copy(c_hbm.at[pl.ds(base, K)], cbuf[p],
                                      seml[p]).wait()
                pltpu.make_async_copy(x_hbm.at[pl.ds(0, K)], xsbuf[p],
                                      semg[p]).wait()

                def mrow(u, _):
                    for r in range(2):
                        i = 2 * u + r
                        for j in range(D // 32):
                            w = cbuf[p][i, pl.ds(j * 16, 16)]
                            clo = plsc.bitcast(w << 16, jnp.float32)
                            chi = plsc.bitcast(w & jnp.int32(-65536),
                                               jnp.float32)
                            mji[i, pl.ds(j * 32, 16)] = (
                                clo * xsbuf[p][i, pl.ds(j * 32, 16)])
                            mji[i, pl.ds(j * 32 + 16, 16)] = (
                                chi * xsbuf[p][i, pl.ds(j * 32 + 16, 16)])
                    return 0
                lax.fori_loop(0, K // 2, mrow, 0)

                pltpu.sync_copy(mji, acc.at[ridx[p]], add=True)
        return 0
    lax.fori_loop(0, (NT_MAX + 1) // 2, pair_body, 0)

    plsc.subcore_barrier()

    def drain(t, _):
        base = (sid + t * NS) * ZROWS
        pltpu.sync_copy(acc.at[pl.ds(base, ZROWS)],
                        out_hbm.at[cid, pl.ds(base, ZROWS)])
        return 0
    lax.fori_loop(0, nz_mine, drain, 0)



def _out_body(p_ref, w_ref, o_ref):
    m = p_ref[0] + p_ref[1]
    o_ref[...] = jnp.dot(m, w_ref[...],
                         preferred_element_type=jnp.float32) * (1.0 / AVG_NUM_NEIGHBORS)


def _out_call(partials, w_out):
    grid = (N_NODES // NB,)
    return pl.pallas_call(
        _out_body,
        grid=grid,
        in_specs=[
            pl.BlockSpec((NC, NB, D), lambda i: (0, i, 0)),
            pl.BlockSpec((D, D), lambda i: (0, 0)),
        ],
        out_specs=pl.BlockSpec((NB, D), lambda i: (i, 0)),
        out_shape=jax.ShapeDtypeStruct((N_NODES, D), jnp.float32),
    )(partials, w_out)



def kernel(node_attrs, node_feats, edge_attrs, edge_feats, senders, receivers,
           W_sc, W_lin, W1, W2, W3, W4, W_out):
    snd = senders.astype(jnp.int32)
    rcv = receivers.astype(jnp.int32)
    wsc = jnp.transpose(W_sc.reshape(D, A, HIDDEN), (1, 0, 2))
    w4r = jnp.transpose(W4.reshape(MLP_H, D, A), (2, 0, 1)).reshape(A * MLP_H, D)
    rho = jnp.concatenate([jnp.arange(0, D, 2), jnp.arange(1, D, 2)])
    k16 = jnp.arange(16)
    omega = (jnp.arange(0, D, 32)[:, None]
             + jnp.concatenate([2 * k16, 2 * k16 + 1])[None, :]).reshape(D)
    w4rp = w4r[:, rho].astype(jnp.bfloat16)
    wlinp = W_lin[:, omega]
    woutp = W_out[omega, :]

    sc, x = _node_call(node_feats, node_attrs, wsc, wlinp)
    c = _edge_call(edge_feats.T, edge_attrs.T, W1, W2, W3, w4rp)
    partials = _sc_scatter_call()(x, c, snd, rcv)
    message = _out_call(partials, woutp)
    return (message, sc)

# --- scband reference (transcript-rebuilt; emitter-appended) ---
"""Pipeline reference for scband-agnostic-residual-interaction-block-65017214927001 (READ-ONLY COPY).

The authoritative reference and input builder live on the scoring server;
editing this copy changes nothing except your own understanding.
"""

import jax, jax.numpy as jnp
import numpy as np

N_NODES = 10000
N_EDGES = 160000
D_FEAT = 128
D_ATTR = 4
D_EDGE_ATTR = 4
D_EDGE_FEAT = 8
HIDDEN = 128
MLP_H = 64
AVG_NUM_NEIGHBORS = 16.0


def setup_inputs(seed: int = 0) -> dict:
    key = jax.random.key(seed)
    ks = jax.random.split(key, 16)
    node_attrs = jax.random.uniform(ks[0], (N_NODES, D_ATTR), dtype=jnp.float32)
    node_feats = jax.random.normal(ks[1], (N_NODES, D_FEAT), dtype=jnp.float32)
    edge_attrs = jax.random.normal(ks[2], (N_EDGES, D_EDGE_ATTR), dtype=jnp.float32)
    edge_feats = jax.random.normal(ks[3], (N_EDGES, D_EDGE_FEAT), dtype=jnp.float32)
    senders = jax.random.randint(ks[4], (N_EDGES,), 0, N_NODES, dtype=jnp.int32).astype(jnp.int64)
    receivers = jax.random.randint(ks[5], (N_EDGES,), 0, N_NODES, dtype=jnp.int32).astype(jnp.int64)
    # learned parameters
    W_sc = jax.random.normal(ks[6], (D_FEAT * D_ATTR, HIDDEN), dtype=jnp.float32) / np.sqrt(D_FEAT * D_ATTR)
    W_lin = jax.random.normal(ks[7], (D_FEAT, D_FEAT), dtype=jnp.float32) / np.sqrt(D_FEAT)
    W1 = jax.random.normal(ks[8], (D_EDGE_FEAT, MLP_H), dtype=jnp.float32) / np.sqrt(D_EDGE_FEAT)
    W2 = jax.random.normal(ks[9], (MLP_H, MLP_H), dtype=jnp.float32) / np.sqrt(MLP_H)
    W3 = jax.random.normal(ks[10], (MLP_H, MLP_H), dtype=jnp.float32) / np.sqrt(MLP_H)
    W4 = jax.random.normal(ks[11], (MLP_H, D_FEAT * D_EDGE_ATTR), dtype=jnp.float32) / np.sqrt(MLP_H)
    W_out = jax.random.normal(ks[12], (D_FEAT, D_FEAT), dtype=jnp.float32) / np.sqrt(D_FEAT)
    return {"node_attrs": node_attrs, "node_feats": node_feats, "edge_attrs": edge_attrs,
            "edge_feats": edge_feats, "senders": senders, "receivers": receivers,
            "W_sc": W_sc, "W_lin": W_lin, "W1": W1, "W2": W2, "W3": W3, "W4": W4, "W_out": W_out}


def reference(node_attrs, node_feats, edge_attrs, edge_feats, senders, receivers,
              W_sc, W_lin, W1, W2, W3, W4, W_out):
    N, d = node_feats.shape
    A = node_attrs.shape[1]
    E, Ae = edge_attrs.shape
    # sc = Linear(hidden)(tensor_product(node_feats, node_attrs))
    tp1 = (node_feats[:, :, None] * node_attrs[:, None, :]).reshape(N, d * A)
    sc = tp1 @ W_sc
    # node_feats = Linear(node_feats.irreps)(node_feats)
    x = node_feats @ W_lin
    # tp_weights = MLP([64,64,64,weight_numel], silu)(edge_feats)
    h = jax.nn.silu(edge_feats @ W1)
    h = jax.nn.silu(h @ W2)
    h = jax.nn.silu(h @ W3)
    tp_w = h @ W4  # [E, d * Ae] per-edge tensor-product path weights
    # mji = conv_tp(node_feats[senders], edge_attrs, tp_weights)  (channel-wise 'uvu' tp)
    xs = jnp.take(x, senders, axis=0)  # gather over edges
    mji = (tp_w.reshape(E, d, Ae) * xs[:, :, None] * edge_attrs[:, None, :]).sum(axis=-1)  # [E, d]
    # scatter-add messages to receivers
    message = jnp.zeros((N, d), dtype=x.dtype).at[receivers].add(mji)
    # Linear(target_irreps)(message) / avg_num_neighbors
    message = (message @ W_out) / AVG_NUM_NEIGHBORS
    return (message, sc)

if __name__ == "__main__":
    import jax
    _d = setup_inputs()
    print(jax.jit(kernel)(*tuple(_d.values())))

</pallas_src>

<mosaic_0001>
#map = affine_map<(d0, d1) -> (0, 0)>
#map1 = affine_map<(d0, d1) -> (0)>
#map2 = affine_map<(d0, d1) -> (0, 0, 0)>
module attributes {stable_mosaic.version = 14 : i64} {
  func.func @_sc_scatter_body(%arg0: i32, %arg1: i32, %arg2: memref<10000x128xf32, #tpu.memory_space<hbm>>, %arg3: memref<160000x64xi32, #tpu.memory_space<hbm>>, %arg4: memref<160000xi32, #tpu.memory_space<hbm>>, %arg5: memref<160000xi32, #tpu.memory_space<hbm>>, %arg6: memref<2x10000x128xf32, #tpu.memory_space<hbm>>, %arg7: memref<64xi32, #tpu.memory_space<vmem>>, %arg8: memref<64xi32, #tpu.memory_space<vmem>>, %arg9: memref<64xi32, #tpu.memory_space<vmem>>, %arg10: memref<64xi32, #tpu.memory_space<vmem>>, %arg11: memref<64x64xi32, #tpu.memory_space<vmem>>, %arg12: memref<64x64xi32, #tpu.memory_space<vmem>>, %arg13: memref<64x128xf32, #tpu.memory_space<vmem>>, %arg14: memref<64x128xf32, #tpu.memory_space<vmem>>, %arg15: memref<64x128xf32, #tpu.memory_space<vmem>>, %arg16: memref<10000x128xf32, #tpu.memory_space<vmem_shared>>, %arg17: memref<!tpu.dma_semaphore, #tpu.memory_space<semaphore_mem>>, %arg18: memref<!tpu.dma_semaphore, #tpu.memory_space<semaphore_mem>>, %arg19: memref<!tpu.dma_semaphore, #tpu.memory_space<semaphore_mem>>, %arg20: memref<!tpu.dma_semaphore, #tpu.memory_space<semaphore_mem>>, %arg21: memref<!tpu.dma_semaphore, #tpu.memory_space<semaphore_mem>>, %arg22: memref<!tpu.dma_semaphore, #tpu.memory_space<semaphore_mem>>) attributes {dimension_semantics = [#tpu.dimension_semantics<core_parallel>, #tpu.dimension_semantics<subcore_parallel>], iteration_bounds = array<i64: 2, 16>, scalar_prefetch = 0 : i64, scratch_operands = 16 : i64, tpu.core_type = #tpu.core_type<sc_vector_subcore>, window_params = [{transform_indices = #map}, {transform_indices = #map}, {transform_indices = #map1}, {transform_indices = #map1}, {transform_indices = #map2}]} {
    %mul3A = arith.constant 2 : i32
    %mul3A_0 = arith.muli %arg1, %mul3A : i32
    %add3A = arith.addi %mul3A_0, %arg0 : i32
    %scan3A = arith.constant 0 : i32
    %scan3A_1 = arith.constant 0 : i32
    %scan3A_2 = arith.constant 64 : i32
    %scan3A_3 = arith.addi %scan3A_1, %scan3A_2 : i32
    %scan3A_4 = arith.constant 1 : i32
    %scan3A_5 = scf.for %scan3A_105 = %scan3A_1 to %scan3A_3 step %scan3A_4 iter_args(%scan3A_106 = %scan3A) -> (i32)  : i32 {
      %broadcast_in_dim3A = arith.constant 0.000000e+00 : f32
      %broadcast_in_dim3A_107 = vector.broadcast %broadcast_in_dim3A : f32 to vector<16xf32>
      %swap3A = arith.index_cast %scan3A_105 : i32 to index
      %swap3A_108 = arith.constant 0 : index
      %swap3A_109 = tpu.vector_load %arg15[%swap3A, %swap3A_108] {strides = array<i32>} : memref<64x128xf32, #tpu.memory_space<vmem>>, vector<16xf32>,
      tpu.vector_store %arg15[%swap3A, %swap3A_108], %broadcast_in_dim3A_107 {strides = array<i32>} : memref<64x128xf32, #tpu.memory_space<vmem>>, vector<16xf32>,
      %broadcast_in_dim3A_110 = arith.constant 0.000000e+00 : f32
      %broadcast_in_dim3A_111 = vector.broadcast %broadcast_in_dim3A_110 : f32 to vector<16xf32>
      %swap3A_112 = arith.index_cast %scan3A_105 : i32 to index
      %swap3A_113 = arith.constant 16 : index
      %swap3A_114 = tpu.vector_load %arg15[%swap3A_112, %swap3A_113] {strides = array<i32>} : memref<64x128xf32, #tpu.memory_space<vmem>>, vector<16xf32>,
      tpu.vector_store %arg15[%swap3A_112, %swap3A_113], %broadcast_in_dim3A_111 {strides = array<i32>} : memref<64x128xf32, #tpu.memory_space<vmem>>, vector<16xf32>,
      %broadcast_in_dim3A_115 = arith.constant 0.000000e+00 : f32
      %broadcast_in_dim3A_116 = vector.broadcast %broadcast_in_dim3A_115 : f32 to vector<16xf32>
      %swap3A_117 = arith.index_cast %scan3A_105 : i32 to index
      %swap3A_118 = arith.constant 32 : index
      %swap3A_119 = tpu.vector_load %arg15[%swap3A_117, %swap3A_118] {strides = array<i32>} : memref<64x128xf32, #tpu.memory_space<vmem>>, vector<16xf32>,
      tpu.vector_store %arg15[%swap3A_117, %swap3A_118], %broadcast_in_dim3A_116 {strides = array<i32>} : memref<64x128xf32, #tpu.memory_space<vmem>>, vector<16xf32>,
      %broadcast_in_dim3A_120 = arith.constant 0.000000e+00 : f32
      %broadcast_in_dim3A_121 = vector.broadcast %broadcast_in_dim3A_120 : f32 to vector<16xf32>
      %swap3A_122 = arith.index_cast %scan3A_105 : i32 to index
      %swap3A_123 = arith.constant 48 : index
      %swap3A_124 = tpu.vector_load %arg15[%swap3A_122, %swap3A_123] {strides = array<i32>} : memref<64x128xf32, #tpu.memory_space<vmem>>, vector<16xf32>,
      tpu.vector_store %arg15[%swap3A_122, %swap3A_123], %broadcast_in_dim3A_121 {strides = array<i32>} : memref<64x128xf32, #tpu.memory_space<vmem>>, vector<16xf32>,
      %broadcast_in_dim3A_125 = arith.constant 0.000000e+00 : f32
      %broadcast_in_dim3A_126 = vector.broadcast %broadcast_in_dim3A_125 : f32 to vector<16xf32>
      %swap3A_127 = arith.index_cast %scan3A_105 : i32 to index
      %swap3A_128 = arith.constant 64 : index
      %swap3A_129 = tpu.vector_load %arg15[%swap3A_127, %swap3A_128] {strides = array<i32>} : memref<64x128xf32, #tpu.memory_space<vmem>>, vector<16xf32>,
      tpu.vector_store %arg15[%swap3A_127, %swap3A_128], %broadcast_in_dim3A_126 {strides = array<i32>} : memref<64x128xf32, #tpu.memory_space<vmem>>, vector<16xf32>,
      %broadcast_in_dim3A_130 = arith.constant 0.000000e+00 : f32
      %broadcast_in_dim3A_131 = vector.broadcast %broadcast_in_dim3A_130 : f32 to vector<16xf32>
      %swap3A_132 = arith.index_cast %scan3A_105 : i32 to index
      %swap3A_133 = arith.constant 80 : index
      %swap3A_134 = tpu.vector_load %arg15[%swap3A_132, %swap3A_133] {strides = array<i32>} : memref<64x128xf32, #tpu.memory_space<vmem>>, vector<16xf32>,
      tpu.vector_store %arg15[%swap3A_132, %swap3A_133], %broadcast_in_dim3A_131 {strides = array<i32>} : memref<64x128xf32, #tpu.memory_space<vmem>>, vector<16xf32>,
      %broadcast_in_dim3A_135 = arith.constant 0.000000e+00 : f32
      %broadcast_in_dim3A_136 = vector.broadcast %broadcast_in_dim3A_135 : f32 to vector<16xf32>
      %swap3A_137 = arith.index_cast %scan3A_105 : i32 to index
      %swap3A_138 = arith.constant 96 : index
      %swap3A_139 = tpu.vector_load %arg15[%swap3A_137, %swap3A_138] {strides = array<i32>} : memref<64x128xf32, #tpu.memory_space<vmem>>, vector<16xf32>,
      tpu.vector_store %arg15[%swap3A_137, %swap3A_138], %broadcast_in_dim3A_136 {strides = array<i32>} : memref<64x128xf32, #tpu.memory_space<vmem>>, vector<16xf32>,
      %broadcast_in_dim3A_140 = arith.constant 0.000000e+00 : f32
      %broadcast_in_dim3A_141 = vector.broadcast %broadcast_in_dim3A_140 : f32 to vector<16xf32>
      %swap3A_142 = arith.index_cast %scan3A_105 : i32 to index
      %swap3A_143 = arith.constant 112 : index
      %swap3A_144 = tpu.vector_load %arg15[%swap3A_142, %swap3A_143] {strides = array<i32>} : memref<64x128xf32, #tpu.memory_space<vmem>>, vector<16xf32>,
      tpu.vector_store %arg15[%swap3A_142, %swap3A_143], %broadcast_in_dim3A_141 {strides = array<i32>} : memref<64x128xf32, #tpu.memory_space<vmem>>, vector<16xf32>,
      %scan3A_145 = arith.constant 0 : i32
      scf.yield %scan3A_145 : i32
    }
    %scan3A_6 = arith.constant 64 : i32
    %sub3A = arith.constant 250 : i32
    %sub3A_7 = arith.subi %sub3A, %arg1 : i32
    %add3A_8 = arith.constant 16 : i32
    %add3A_9 = arith.addi %sub3A_7, %add3A_8 : i32
    %sub3A_10 = arith.constant 1 : i32
    %sub3A_11 = arith.subi %add3A_9, %sub3A_10 : i32
    %jit3A = arith.constant 16 : i32
    %div3A = arith.divsi %sub3A_11, %jit3A : i32
    %sign3A = arith.constant 0 : i32
    %sign3A_12 = arith.cmpi sgt, %sub3A_11, %sign3A : i32
    %sign3A_13 = arith.extui %sign3A_12 : i1 to i32
    %sign3A_14 = arith.constant 0 : i32
    %sign3A_15 = arith.cmpi slt, %sub3A_11, %sign3A_14 : i32
    %sign3A_16 = arith.extui %sign3A_15 : i1 to i32
    %sign3A_17 = arith.subi %sign3A_13, %sign3A_16 : i32
    %sign3A_18 = arith.constant 0 : i32
    %sign3A_19 = arith.cmpi sgt, %jit3A, %sign3A_18 : i32
    %sign3A_20 = arith.extui %sign3A_19 : i1 to i32
    %sign3A_21 = arith.constant 0 : i32
    %sign3A_22 = arith.cmpi slt, %jit3A, %sign3A_21 : i32
    %sign3A_23 = arith.extui %sign3A_22 : i1 to i32
    %sign3A_24 = arith.subi %sign3A_20, %sign3A_23 : i32
    %ne3A = arith.cmpi ne, %sign3A_17, %sign3A_24 : i32
    %rem3A = arith.remsi %sub3A_11, %jit3A : i32
    %ne3A_25 = arith.constant 0 : i32
    %ne3A_26 = arith.cmpi ne, %rem3A, %ne3A_25 : i32
    %and3A = arith.andi %ne3A, %ne3A_26 : i1
    %sub3A_27 = arith.constant 1 : i32
    %sub3A_28 = arith.subi %div3A, %sub3A_27 : i32
    %select_n3A = arith.select %and3A, %sub3A_28, %div3A : i32
    %while3A = arith.constant 0 : i32
    %while3A_29 = arith.constant 0 : i32
    %while3A_30 = arith.subi %select_n3A, %while3A : i32
    %while3A_31 = arith.addi %while3A, %while3A_30 : i32
    %while3A_32 = arith.constant 1 : i32
    %while3A_33 = arith.divsi %while3A_30, %while3A_32 : i32
    %while3A_34 = arith.muli %while3A_33, %while3A_32 : i32
    %while3A_35 = arith.addi %while3A, %while3A_34 : i32
    %while3A_36 = arith.constant 1 : i32
    %while3A_37 = scf.for %while3A_105 = %while3A to %while3A_35 step %while3A_36 iter_args(%while3A_106 = %while3A_29) -> (i32)  : i32 {
      %mul3A_107 = arith.constant 16 : i32
      %mul3A_108 = arith.muli %while3A_105, %mul3A_107 : i32
      %add3A_109 = arith.addi %arg1, %mul3A_108 : i32
      %mul3A_110 = arith.constant 40 : i32
      %mul3A_111 = arith.muli %add3A_109, %mul3A_110 : i32
      "tpu.region"() ({
        %run_scoped3A = tpu.sem_alloc : memref<!tpu.dma_semaphore, #tpu.memory_space<semaphore_mem>>
        %dma_start3A_113 = arith.constant 0 : i32
        %dma_start3A_114 = arith.constant 0 : i32
        %dma_start3A_115 = tpu.memref_slice %arg15[%dma_start3A_113, %dma_start3A_114] : memref<64x128xf32, #tpu.memory_space<vmem>> -> memref<40x128xf32, #tpu.memory_space<vmem>>
        %dma_start3A_116 = arith.constant 0 : i32
        %dma_start3A_117 = tpu.memref_slice %arg16[%mul3A_111, %dma_start3A_116] : memref<10000x128xf32, #tpu.memory_space<vmem_shared>> -> memref<40x128xf32, #tpu.memory_space<vmem_shared>>
        %dma_start3A_118 = arith.constant 0 : i32
        %dma_start3A_119 = tpu.memref_slice %arg16[%mul3A_111, %dma_start3A_118] : memref<10000x128xf32, #tpu.memory_space<vmem_shared>> -> memref<40x128xf32, #tpu.memory_space<vmem_shared>>
        %dma_start3A_120 = arith.constant 0 : i32
        %dma_start3A_121 = arith.constant 0 : i32
        %dma_start3A_122 = tpu.memref_slice %arg15[%dma_start3A_120, %dma_start3A_121] : memref<64x128xf32, #tpu.memory_space<vmem>> -> memref<40x128xf32, #tpu.memory_space<vmem>>
        tpu.enqueue_dma source(%dma_start3A_122 : memref<40x128xf32, #tpu.memory_space<vmem>>) target(%dma_start3A_119 : memref<40x128xf32, #tpu.memory_space<vmem_shared>>) target_semaphore(%run_scoped3A : memref<!tpu.dma_semaphore, #tpu.memory_space<semaphore_mem>>)
        %dma_wait3A_123 = arith.constant 0 : i32
        %dma_wait3A_124 = arith.constant 0 : i32
        %dma_wait3A_125 = tpu.memref_slice %arg15[%dma_wait3A_123, %dma_wait3A_124] : memref<64x128xf32, #tpu.memory_space<vmem>> -> memref<40x128xf32, #tpu.memory_space<vmem>>
        %dma_wait3A_126 = arith.constant 0 : i32
        %dma_wait3A_127 = tpu.memref_slice %arg16[%mul3A_111, %dma_wait3A_126] : memref<10000x128xf32, #tpu.memory_space<vmem_shared>> -> memref<40x128xf32, #tpu.memory_space<vmem_shared>>
        %dma_wait3A_128 = arith.constant 0 : i32
        %dma_wait3A_129 = tpu.memref_slice %arg16[%mul3A_111, %dma_wait3A_128] : memref<10000x128xf32, #tpu.memory_space<vmem_shared>> -> memref<40x128xf32, #tpu.memory_space<vmem_shared>>
        %dma_wait3A_130 = arith.constant 0 : i32
        %dma_wait3A_131 = arith.constant 0 : i32
        %dma_wait3A_132 = tpu.memref_slice %arg15[%dma_wait3A_130, %dma_wait3A_131] : memref<64x128xf32, #tpu.memory_space<vmem>> -> memref<40x128xf32, #tpu.memory_space<vmem>>
        tpu.wait_dma2 semaphore(%run_scoped3A : memref<!tpu.dma_semaphore, #tpu.memory_space<semaphore_mem>>) src(%dma_wait3A_132 : memref<40x128xf32, #tpu.memory_space<vmem>>) dst(%dma_wait3A_129 : memref<40x128xf32, #tpu.memory_space<vmem_shared>>)
        tpu.yield
      }) : () -> ()
      %while3A_112 = arith.constant 0 : i32
      scf.yield %while3A_112 : i32
    }
    %while3A_38 = arith.constant 1 : i32
    %while3A_39 = scf.for %while3A_105 = %while3A_35 to %while3A_31 step %while3A_38 iter_args(%while3A_106 = %while3A_37) -> (i32)  : i32 {
      %mul3A_107 = arith.constant 16 : i32
      %mul3A_108 = arith.muli %while3A_105, %mul3A_107 : i32
      %add3A_109 = arith.addi %arg1, %mul3A_108 : i32
      %mul3A_110 = arith.constant 40 : i32
      %mul3A_111 = arith.muli %add3A_109, %mul3A_110 : i32
      "tpu.region"() ({
        %run_scoped3A = tpu.sem_alloc : memref<!tpu.dma_semaphore, #tpu.memory_space<semaphore_mem>>
        %dma_start3A_113 = arith.constant 0 : i32
        %dma_start3A_114 = arith.constant 0 : i32
        %dma_start3A_115 = tpu.memref_slice %arg15[%dma_start3A_113, %dma_start3A_114] : memref<64x128xf32, #tpu.memory_space<vmem>> -> memref<40x128xf32, #tpu.memory_space<vmem>>
        %dma_start3A_116 = arith.constant 0 : i32
        %dma_start3A_117 = tpu.memref_slice %arg16[%mul3A_111, %dma_start3A_116] : memref<10000x128xf32, #tpu.memory_space<vmem_shared>> -> memref<40x128xf32, #tpu.memory_space<vmem_shared>>
        %dma_start3A_118 = arith.constant 0 : i32
        %dma_start3A_119 = tpu.memref_slice %arg16[%mul3A_111, %dma_start3A_118] : memref<10000x128xf32, #tpu.memory_space<vmem_shared>> -> memref<40x128xf32, #tpu.memory_space<vmem_shared>>
        %dma_start3A_120 = arith.constant 0 : i32
        %dma_start3A_121 = arith.constant 0 : i32
        %dma_start3A_122 = tpu.memref_slice %arg15[%dma_start3A_120, %dma_start3A_121] : memref<64x128xf32, #tpu.memory_space<vmem>> -> memref<40x128xf32, #tpu.memory_space<vmem>>
        tpu.enqueue_dma source(%dma_start3A_122 : memref<40x128xf32, #tpu.memory_space<vmem>>) target(%dma_start3A_119 : memref<40x128xf32, #tpu.memory_space<vmem_shared>>) target_semaphore(%run_scoped3A : memref<!tpu.dma_semaphore, #tpu.memory_space<semaphore_mem>>)
        %dma_wait3A_123 = arith.constant 0 : i32
        %dma_wait3A_124 = arith.constant 0 : i32
        %dma_wait3A_125 = tpu.memref_slice %arg15[%dma_wait3A_123, %dma_wait3A_124] : memref<64x128xf32, #tpu.memory_space<vmem>> -> memref<40x128xf32, #tpu.memory_space<vmem>>
        %dma_wait3A_126 = arith.constant 0 : i32
        %dma_wait3A_127 = tpu.memref_slice %arg16[%mul3A_111, %dma_wait3A_126] : memref<10000x128xf32, #tpu.memory_space<vmem_shared>> -> memref<40x128xf32, #tpu.memory_space<vmem_shared>>
        %dma_wait3A_128 = arith.constant 0 : i32
        %dma_wait3A_129 = tpu.memref_slice %arg16[%mul3A_111, %dma_wait3A_128] : memref<10000x128xf32, #tpu.memory_space<vmem_shared>> -> memref<40x128xf32, #tpu.memory_space<vmem_shared>>
        %dma_wait3A_130 = arith.constant 0 : i32
        %dma_wait3A_131 = arith.constant 0 : i32
        %dma_wait3A_132 = tpu.memref_slice %arg15[%dma_wait3A_130, %dma_wait3A_131] : memref<64x128xf32, #tpu.memory_space<vmem>> -> memref<40x128xf32, #tpu.memory_space<vmem>>
        tpu.wait_dma2 semaphore(%run_scoped3A : memref<!tpu.dma_semaphore, #tpu.memory_space<semaphore_mem>>) src(%dma_wait3A_132 : memref<40x128xf32, #tpu.memory_space<vmem>>) dst(%dma_wait3A_129 : memref<40x128xf32, #tpu.memory_space<vmem_shared>>)
        tpu.yield
      }) : () -> ()
      %while3A_112 = arith.constant 0 : i32
      scf.yield %while3A_112 : i32
    }
    %barrier3A = arith.constant 0 : index
    tpu.barrier barrier_id(%barrier3A)
    %sub3A_40 = arith.constant 2500 : i32
    %sub3A_41 = arith.subi %sub3A_40, %add3A : i32
    %add3A_42 = arith.constant 32 : i32
    %add3A_43 = arith.addi %sub3A_41, %add3A_42 : i32
    %sub3A_44 = arith.constant 1 : i32
    %sub3A_45 = arith.subi %add3A_43, %sub3A_44 : i32
    %jit3A_46 = arith.constant 32 : i32
    %div3A_47 = arith.divsi %sub3A_45, %jit3A_46 : i32
    %sign3A_48 = arith.constant 0 : i32
    %sign3A_49 = arith.cmpi sgt, %sub3A_45, %sign3A_48 : i32
    %sign3A_50 = arith.extui %sign3A_49 : i1 to i32
    %sign3A_51 = arith.constant 0 : i32
    %sign3A_52 = arith.cmpi slt, %sub3A_45, %sign3A_51 : i32
    %sign3A_53 = arith.extui %sign3A_52 : i1 to i32
    %sign3A_54 = arith.subi %sign3A_50, %sign3A_53 : i32
    %sign3A_55 = arith.constant 0 : i32
    %sign3A_56 = arith.cmpi sgt, %jit3A_46, %sign3A_55 : i32
    %sign3A_57 = arith.extui %sign3A_56 : i1 to i32
    %sign3A_58 = arith.constant 0 : i32
    %sign3A_59 = arith.cmpi slt, %jit3A_46, %sign3A_58 : i32
    %sign3A_60 = arith.extui %sign3A_59 : i1 to i32
    %sign3A_61 = arith.subi %sign3A_57, %sign3A_60 : i32
    %ne3A_62 = arith.cmpi ne, %sign3A_54, %sign3A_61 : i32
    %rem3A_63 = arith.remsi %sub3A_45, %jit3A_46 : i32
    %ne3A_64 = arith.constant 0 : i32
    %ne3A_65 = arith.cmpi ne, %rem3A_63, %ne3A_64 : i32
    %and3A_66 = arith.andi %ne3A_62, %ne3A_65 : i1
    %sub3A_67 = arith.constant 1 : i32
    %sub3A_68 = arith.subi %div3A_47, %sub3A_67 : i32
    %select_n3A_69 = arith.select %and3A_66, %sub3A_68, %div3A_47 : i32
    %add3A_70 = arith.constant 0 : i32
    %add3A_71 = arith.addi %add3A, %add3A_70 : i32
    %mul3A_72 = arith.constant 64 : i32
    %mul3A_73 = arith.muli %add3A_71, %mul3A_72 : i32
    %dma_start3A = tpu.memref_slice %arg4[%mul3A_73] : memref<160000xi32, #tpu.memory_space<hbm>> -> memref<64xi32, #tpu.memory_space<hbm>>
    %dma_start3A_74 = tpu.memref_slice %arg4[%mul3A_73] : memref<160000xi32, #tpu.memory_space<hbm>> -> memref<64xi32, #tpu.memory_space<hbm>>
    tpu.enqueue_dma source(%dma_start3A_74 : memref<64xi32, #tpu.memory_space<hbm>>) target(%arg7 : memref<64xi32, #tpu.memory_space<vmem>>) target_semaphore(%arg17 : memref<!tpu.dma_semaphore, #tpu.memory_space<semaphore_mem>>)
    %dma_start3A_75 = tpu.memref_slice %arg5[%mul3A_73] : memref<160000xi32, #tpu.memory_space<hbm>> -> memref<64xi32, #tpu.memory_space<hbm>>
    %dma_start3A_76 = tpu.memref_slice %arg5[%mul3A_73] : memref<160000xi32, #tpu.memory_space<hbm>> -> memref<64xi32, #tpu.memory_space<hbm>>
    tpu.enqueue_dma source(%dma_start3A_76 : memref<64xi32, #tpu.memory_space<hbm>>) target(%arg9 : memref<64xi32, #tpu.memory_space<vmem>>) target_semaphore(%arg19 : memref<!tpu.dma_semaphore, #tpu.memory_space<semaphore_mem>>)
    %dma_start3A_77 = arith.constant 0 : i32
    %dma_start3A_78 = tpu.memref_slice %arg3[%mul3A_73, %dma_start3A_77] : memref<160000x64xi32, #tpu.memory_space<hbm>> -> memref<64x64xi32, #tpu.memory_space<hbm>>
    %dma_start3A_79 = arith.constant 0 : i32
    %dma_start3A_80 = tpu.memref_slice %arg3[%mul3A_73, %dma_start3A_79] : memref<160000x64xi32, #tpu.memory_space<hbm>> -> memref<64x64xi32, #tpu.memory_space<hbm>>
    tpu.enqueue_dma source(%dma_start3A_80 : memref<64x64xi32, #tpu.memory_space<hbm>>) target(%arg11 : memref<64x64xi32, #tpu.memory_space<vmem>>) target_semaphore(%arg19 : memref<!tpu.dma_semaphore, #tpu.memory_space<semaphore_mem>>)
    %dma_wait3A = tpu.memref_slice %arg4[%mul3A_73] : memref<160000xi32, #tpu.memory_space<hbm>> -> memref<64xi32, #tpu.memory_space<hbm>>
    %dma_wait3A_81 = tpu.memref_slice %arg4[%mul3A_73] : memref<160000xi32, #tpu.memory_space<hbm>> -> memref<64xi32, #tpu.memory_space<hbm>>
    tpu.wait_dma2 semaphore(%arg17 : memref<!tpu.dma_semaphore, #tpu.memory_space<semaphore_mem>>) src(%dma_wait3A_81 : memref<64xi32, #tpu.memory_space<hbm>>) dst(%arg7 : memref<64xi32, #tpu.memory_space<vmem>>)
    %dma_start3A_82 = arith.constant 0 : i32
    %dma_start3A_83 = arith.constant 0 : i32
    %dma_start3A_84 = tpu.memref_slice %arg2[%dma_start3A_82, %dma_start3A_83] : memref<10000x128xf32, #tpu.memory_space<hbm>> -> memref<10000x128xf32, #tpu.memory_space<hbm>>
    tpu.enqueue_indirect_dma source(%dma_start3A_84 : memref<10000x128xf32, #tpu.memory_space<hbm>>) target(%arg13 : memref<64x128xf32, #tpu.memory_space<vmem>>) offsets(%arg7 : memref<64xi32, #tpu.memory_space<vmem>>) semaphore(%arg21 : memref<!tpu.dma_semaphore, #tpu.memory_space<semaphore_mem>>)
    %scan3A_85 = arith.constant 0 : i32
    %scan3A_86 = arith.constant 0 : i32
    %scan3A_87 = arith.constant 40 : i32
    %scan3A_88 = arith.addi %scan3A_86, %scan3A_87 : i32
    %scan3A_89 = arith.constant 1 : i32
    %scan3A_90 = scf.for %scan3A_105 = %scan3A_86 to %scan3A_88 step %scan3A_89 iter_args(%scan3A_106 = %scan3A_85) -> (i32)  : i32 {
      %mul3A_107 = arith.constant 2 : i32
      %mul3A_108 = arith.muli %mul3A_107, %scan3A_105 : i32
      %add3A_109 = arith.constant 0 : i32
      %add3A_110 = arith.addi %mul3A_108, %add3A_109 : i32
      %add3A_111 = arith.constant 1 : i32
      %add3A_112 = arith.addi %add3A_110, %add3A_111 : i32
      %lt3A = arith.cmpi slt, %add3A_112, %select_n3A_69 : i32
      %convert_element_type3A = arith.extui %lt3A : i1 to i32
      %cond3A = arith.constant 0 : i32
      %cond3A_113 = arith.cmpi ne, %convert_element_type3A, %cond3A : i32
      scf.if %cond3A_113 {
        %add3A_133 = arith.constant 1 : i32
        %add3A_134 = arith.addi %add3A_110, %add3A_133 : i32
        %mul3A_135 = arith.constant 32 : i32
        %mul3A_136 = arith.muli %add3A_134, %mul3A_135 : i32
        %add3A_137 = arith.addi %add3A, %mul3A_136 : i32
        %mul3A_138 = arith.constant 64 : i32
        %mul3A_139 = arith.muli %add3A_137, %mul3A_138 : i32
        %dma_start3A_140 = tpu.memref_slice %arg4[%mul3A_139] : memref<160000xi32, #tpu.memory_space<hbm>> -> memref<64xi32, #tpu.memory_space<hbm>>
        %dma_start3A_141 = tpu.memref_slice %arg4[%mul3A_139] : memref<160000xi32, #tpu.memory_space<hbm>> -> memref<64xi32, #tpu.memory_space<hbm>>
        tpu.enqueue_dma source(%dma_start3A_141 : memref<64xi32, #tpu.memory_space<hbm>>) target(%arg8 : memref<64xi32, #tpu.memory_space<vmem>>) target_semaphore(%arg18 : memref<!tpu.dma_semaphore, #tpu.memory_space<semaphore_mem>>)
        %dma_start3A_142 = tpu.memref_slice %arg5[%mul3A_139] : memref<160000xi32, #tpu.memory_space<hbm>> -> memref<64xi32, #tpu.memory_space<hbm>>
        %dma_start3A_143 = tpu.memref_slice %arg5[%mul3A_139] : memref<160000xi32, #tpu.memory_space<hbm>> -> memref<64xi32, #tpu.memory_space<hbm>>
        tpu.enqueue_dma source(%dma_start3A_143 : memref<64xi32, #tpu.memory_space<hbm>>) target(%arg10 : memref<64xi32, #tpu.memory_space<vmem>>) target_semaphore(%arg20 : memref<!tpu.dma_semaphore, #tpu.memory_space<semaphore_mem>>)
        %dma_start3A_144 = arith.constant 0 : i32
        %dma_start3A_145 = tpu.memref_slice %arg3[%mul3A_139, %dma_start3A_144] : memref<160000x64xi32, #tpu.memory_space<hbm>> -> memref<64x64xi32, #tpu.memory_space<hbm>>
        %dma_start3A_146 = arith.constant 0 : i32
        %dma_start3A_147 = tpu.memref_slice %arg3[%mul3A_139, %dma_start3A_146] : memref<160000x64xi32, #tpu.memory_space<hbm>> -> memref<64x64xi32, #tpu.memory_space<hbm>>
        tpu.enqueue_dma source(%dma_start3A_147 : memref<64x64xi32, #tpu.memory_space<hbm>>) target(%arg12 : memref<64x64xi32, #tpu.memory_space<vmem>>) target_semaphore(%arg20 : memref<!tpu.dma_semaphore, #tpu.memory_space<semaphore_mem>>)
        %dma_wait3A_148 = tpu.memref_slice %arg4[%mul3A_139] : memref<160000xi32, #tpu.memory_space<hbm>> -> memref<64xi32, #tpu.memory_space<hbm>>
        %dma_wait3A_149 = tpu.memref_slice %arg4[%mul3A_139] : memref<160000xi32, #tpu.memory_space<hbm>> -> memref<64xi32, #tpu.memory_space<hbm>>
        tpu.wait_dma2 semaphore(%arg18 : memref<!tpu.dma_semaphore, #tpu.memory_space<semaphore_mem>>) src(%dma_wait3A_149 : memref<64xi32, #tpu.memory_space<hbm>>) dst(%arg8 : memref<64xi32, #tpu.memory_space<vmem>>)
        %dma_start3A_150 = arith.constant 0 : i32
        %dma_start3A_151 = arith.constant 0 : i32
        %dma_start3A_152 = tpu.memref_slice %arg2[%dma_start3A_150, %dma_start3A_151] : memref<10000x128xf32, #tpu.memory_space<hbm>> -> memref<10000x128xf32, #tpu.memory_space<hbm>>
        tpu.enqueue_indirect_dma source(%dma_start3A_152 : memref<10000x128xf32, #tpu.memory_space<hbm>>) target(%arg14 : memref<64x128xf32, #tpu.memory_space<vmem>>) offsets(%arg8 : memref<64xi32, #tpu.memory_space<vmem>>) semaphore(%arg22 : memref<!tpu.dma_semaphore, #tpu.memory_space<semaphore_mem>>)
      } else {
      }
      %lt3A_114 = arith.cmpi slt, %add3A_110, %select_n3A_69 : i32
      %convert_element_type3A_115 = arith.extui %lt3A_114 : i1 to i32
      %cond3A_116 = arith.constant 0 : i32
      %cond3A_117 = arith.cmpi ne, %convert_element_type3A_115, %cond3A_116 : i32
      scf.if %cond3A_117 {
        %mul3A_133 = arith.constant 32 : i32
        %mul3A_134 = arith.muli %add3A_110, %mul3A_133 : i32
        %add3A_135 = arith.addi %add3A, %mul3A_134 : i32
        %mul3A_136 = arith.constant 64 : i32
        %mul3A_137 = arith.muli %add3A_135, %mul3A_136 : i32
        %dma_wait3A_138 = tpu.memref_slice %arg5[%mul3A_137] : memref<160000xi32, #tpu.memory_space<hbm>> -> memref<64xi32, #tpu.memory_space<hbm>>
        %dma_wait3A_139 = tpu.memref_slice %arg5[%mul3A_137] : memref<160000xi32, #tpu.memory_space<hbm>> -> memref<64xi32, #tpu.memory_space<hbm>>
        tpu.wait_dma2 semaphore(%arg19 : memref<!tpu.dma_semaphore, #tpu.memory_space<semaphore_mem>>) src(%dma_wait3A_139 : memref<64xi32, #tpu.memory_space<hbm>>) dst(%arg9 : memref<64xi32, #tpu.memory_space<vmem>>)
        %dma_wait3A_140 = arith.constant 0 : i32
        %dma_wait3A_141 = tpu.memref_slice %arg3[%mul3A_137, %dma_wait3A_140] : memref<160000x64xi32, #tpu.memory_space<hbm>> -> memref<64x64xi32, #tpu.memory_space<hbm>>
        %dma_wait3A_142 = arith.constant 0 : i32
        %dma_wait3A_143 = tpu.memref_slice %arg3[%mul3A_137, %dma_wait3A_142] : memref<160000x64xi32, #tpu.memory_space<hbm>> -> memref<64x64xi32, #tpu.memory_space<hbm>>
        tpu.wait_dma2 semaphore(%arg19 : memref<!tpu.dma_semaphore, #tpu.memory_space<semaphore_mem>>) src(%dma_wait3A_143 : memref<64x64xi32, #tpu.memory_space<hbm>>) dst(%arg11 : memref<64x64xi32, #tpu.memory_space<vmem>>)
        %dma_wait3A_144 = arith.constant 0 : i32
        %dma_wait3A_145 = arith.constant 0 : i32
        %dma_wait3A_146 = tpu.memref_slice %arg2[%dma_wait3A_144, %dma_wait3A_145] : memref<10000x128xf32, #tpu.memory_space<hbm>> -> memref<64x128xf32, #tpu.memory_space<hbm>>
        %dma_wait3A_147 = arith.constant 0 : i32
        %dma_wait3A_148 = arith.constant 0 : i32
        %dma_wait3A_149 = tpu.memref_slice %arg2[%dma_wait3A_147, %dma_wait3A_148] : memref<10000x128xf32, #tpu.memory_space<hbm>> -> memref<64x128xf32, #tpu.memory_space<hbm>>
        tpu.wait_dma2 semaphore(%arg21 : memref<!tpu.dma_semaphore, #tpu.memory_space<semaphore_mem>>) src(%dma_wait3A_149 : memref<64x128xf32, #tpu.memory_space<hbm>>) dst(%arg13 : memref<64x128xf32, #tpu.memory_space<vmem>>)
        %scan3A_150 = arith.constant 0 : i32
        %scan3A_151 = arith.constant 0 : i32
        %scan3A_152 = arith.constant 32 : i32
        %scan3A_153 = arith.addi %scan3A_151, %scan3A_152 : i32
        %scan3A_154 = arith.constant 1 : i32
        %scan3A_155 = scf.for %scan3A_157 = %scan3A_151 to %scan3A_153 step %scan3A_154 iter_args(%scan3A_158 = %scan3A_150) -> (i32)  : i32 {
          %mul3A_159 = arith.constant 2 : i32
          %mul3A_160 = arith.muli %mul3A_159, %scan3A_157 : i32
          %add3A_161 = arith.constant 0 : i32
          %add3A_162 = arith.addi %mul3A_160, %add3A_161 : i32
          %get3A = arith.index_cast %add3A_162 : i32 to index
          %get3A_163 = arith.constant 0 : index
          %get3A_164 = tpu.vector_load %arg11[%get3A, %get3A_163] {strides = array<i32>} : memref<64x64xi32, #tpu.memory_space<vmem>>, vector<16xi32>,
          %shift_left3A = arith.constant 16 : i32
          %shift_left3A_165 = vector.broadcast %shift_left3A : i32 to vector<16xi32>
          %shift_left3A_166 = arith.shli %get3A_164, %shift_left3A_165 : vector<16xi32>
          %bitcast3A = vector.bitcast %shift_left3A_166 : vector<16xi32> to vector<16xf32>
          %and3A_167 = arith.constant -65536 : i32
          %and3A_168 = vector.broadcast %and3A_167 : i32 to vector<16xi32>
          %and3A_169 = arith.andi %get3A_164, %and3A_168 : vector<16xi32>
          %bitcast3A_170 = vector.bitcast %and3A_169 : vector<16xi32> to vector<16xf32>
          %get3A_171 = arith.index_cast %add3A_162 : i32 to index
          %get3A_172 = arith.constant 0 : index
          %get3A_173 = tpu.vector_load %arg13[%get3A_171, %get3A_172] {strides = array<i32>} : memref<64x128xf32, #tpu.memory_space<vmem>>, vector<16xf32>,
          %mul3A_174 = arith.mulf %bitcast3A, %get3A_173 : vector<16xf32>
          %swap3A = arith.index_cast %add3A_162 : i32 to index
          %swap3A_175 = arith.constant 0 : index
          %swap3A_176 = tpu.vector_load %arg15[%swap3A, %swap3A_175] {strides = array<i32>} : memref<64x128xf32, #tpu.memory_space<vmem>>, vector<16xf32>,
          tpu.vector_store %arg15[%swap3A, %swap3A_175], %mul3A_174 {strides = array<i32>} : memref<64x128xf32, #tpu.memory_space<vmem>>, vector<16xf32>,
          %get3A_177 = arith.index_cast %add3A_162 : i32 to index
          %get3A_178 = arith.constant 16 : index
          %get3A_179 = tpu.vector_load %arg13[%get3A_177, %get3A_178] {strides = array<i32>} : memref<64x128xf32, #tpu.memory_space<vmem>>, vector<16xf32>,
          %mul3A_180 = arith.mulf %bitcast3A_170, %get3A_179 : vector<16xf32>
          %swap3A_181 = arith.index_cast %add3A_162 : i32 to index
          %swap3A_182 = arith.constant 16 : index
          %swap3A_183 = tpu.vector_load %arg15[%swap3A_181, %swap3A_182] {strides = array<i32>} : memref<64x128xf32, #tpu.memory_space<vmem>>, vector<16xf32>,
          tpu.vector_store %arg15[%swap3A_181, %swap3A_182], %mul3A_180 {strides = array<i32>} : memref<64x128xf32, #tpu.memory_space<vmem>>, vector<16xf32>,
          %get3A_184 = arith.index_cast %add3A_162 : i32 to index
          %get3A_185 = arith.constant 16 : index
          %get3A_186 = tpu.vector_load %arg11[%get3A_184, %get3A_185] {strides = array<i32>} : memref<64x64xi32, #tpu.memory_space<vmem>>, vector<16xi32>,
          %shift_left3A_187 = arith.constant 16 : i32
          %shift_left3A_188 = vector.broadcast %shift_left3A_187 : i32 to vector<16xi32>
          %shift_left3A_189 = arith.shli %get3A_186, %shift_left3A_188 : vector<16xi32>
          %bitcast3A_190 = vector.bitcast %shift_left3A_189 : vector<16xi32> to vector<16xf32>
          %and3A_191 = arith.constant -65536 : i32
          %and3A_192 = vector.broadcast %and3A_191 : i32 to vector<16xi32>
          %and3A_193 = arith.andi %get3A_186, %and3A_192 : vector<16xi32>
          %bitcast3A_194 = vector.bitcast %and3A_193 : vector<16xi32> to vector<16xf32>
          %get3A_195 = arith.index_cast %add3A_162 : i32 to index
          %get3A_196 = arith.constant 32 : index
          %get3A_197 = tpu.vector_load %arg13[%get3A_195, %get3A_196] {strides = array<i32>} : memref<64x128xf32, #tpu.memory_space<vmem>>, vector<16xf32>,
          %mul3A_198 = arith.mulf %bitcast3A_190, %get3A_197 : vector<16xf32>
          %swap3A_199 = arith.index_cast %add3A_162 : i32 to index
          %swap3A_200 = arith.constant 32 : index
          %swap3A_201 = tpu.vector_load %arg15[%swap3A_199, %swap3A_200] {strides = array<i32>} : memref<64x128xf32, #tpu.memory_space<vmem>>, vector<16xf32>,
          tpu.vector_store %arg15[%swap3A_199, %swap3A_200], %mul3A_198 {strides = array<i32>} : memref<64x128xf32, #tpu.memory_space<vmem>>, vector<16xf32>,
          %get3A_202 = arith.index_cast %add3A_162 : i32 to index
          %get3A_203 = arith.constant 48 : index
          %get3A_204 = tpu.vector_load %arg13[%get3A_202, %get3A_203] {strides = array<i32>} : memref<64x128xf32, #tpu.memory_space<vmem>>, vector<16xf32>,
          %mul3A_205 = arith.mulf %bitcast3A_194, %get3A_204 : vector<16xf32>
          %swap3A_206 = arith.index_cast %add3A_162 : i32 to index
          %swap3A_207 = arith.constant 48 : index
          %swap3A_208 = tpu.vector_load %arg15[%swap3A_206, %swap3A_207] {strides = array<i32>} : memref<64x128xf32, #tpu.memory_space<vmem>>, vector<16xf32>,
          tpu.vector_store %arg15[%swap3A_206, %swap3A_207], %mul3A_205 {strides = array<i32>} : memref<64x128xf32, #tpu.memory_space<vmem>>, vector<16xf32>,
          %get3A_209 = arith.index_cast %add3A_162 : i32 to index
          %get3A_210 = arith.constant 32 : index
          %get3A_211 = tpu.vector_load %arg11[%get3A_209, %get3A_210] {strides = array<i32>} : memref<64x64xi32, #tpu.memory_space<vmem>>, vector<16xi32>,
          %shift_left3A_212 = arith.constant 16 : i32
          %shift_left3A_213 = vector.broadcast %shift_left3A_212 : i32 to vector<16xi32>
          %shift_left3A_214 = arith.shli %get3A_211, %shift_left3A_213 : vector<16xi32>
          %bitcast3A_215 = vector.bitcast %shift_left3A_214 : vector<16xi32> to vector<16xf32>
          %and3A_216 = arith.constant -65536 : i32
          %and3A_217 = vector.broadcast %and3A_216 : i32 to vector<16xi32>
          %and3A_218 = arith.andi %get3A_211, %and3A_217 : vector<16xi32>
          %bitcast3A_219 = vector.bitcast %and3A_218 : vector<16xi32> to vector<16xf32>
          %get3A_220 = arith.index_cast %add3A_162 : i32 to index
          %get3A_221 = arith.constant 64 : index
          %get3A_222 = tpu.vector_load %arg13[%get3A_220, %get3A_221] {strides = array<i32>} : memref<64x128xf32, #tpu.memory_space<vmem>>, vector<16xf32>,
          %mul3A_223 = arith.mulf %bitcast3A_215, %get3A_222 : vector<16xf32>
          %swap3A_224 = arith.index_cast %add3A_162 : i32 to index
          %swap3A_225 = arith.constant 64 : index
          %swap3A_226 = tpu.vector_load %arg15[%swap3A_224, %swap3A_225] {strides = array<i32>} : memref<64x128xf32, #tpu.memory_space<vmem>>, vector<16xf32>,
          tpu.vector_store %arg15[%swap3A_224, %swap3A_225], %mul3A_223 {strides = array<i32>} : memref<64x128xf32, #tpu.memory_space<vmem>>, vector<16xf32>,
          %get3A_227 = arith.index_cast %add3A_162 : i32 to index
          %get3A_228 = arith.constant 80 : index
          %get3A_229 = tpu.vector_load %arg13[%get3A_227, %get3A_228] {strides = array<i32>} : memref<64x128xf32, #tpu.memory_space<vmem>>, vector<16xf32>,
          %mul3A_230 = arith.mulf %bitcast3A_219, %get3A_229 : vector<16xf32>
          %swap3A_231 = arith.index_cast %add3A_162 : i32 to index
          %swap3A_232 = arith.constant 80 : index
          %swap3A_233 = tpu.vector_load %arg15[%swap3A_231, %swap3A_232] {strides = array<i32>} : memref<64x128xf32, #tpu.memory_space<vmem>>, vector<16xf32>,
          tpu.vector_store %arg15[%swap3A_231, %swap3A_232], %mul3A_230 {strides = array<i32>} : memref<64x128xf32, #tpu.memory_space<vmem>>, vector<16xf32>,
          %get3A_234 = arith.index_cast %add3A_162 : i32 to index
          %get3A_235 = arith.constant 48 : index
          %get3A_236 = tpu.vector_load %arg11[%get3A_234, %get3A_235] {strides = array<i32>} : memref<64x64xi32, #tpu.memory_space<vmem>>, vector<16xi32>,
          %shift_left3A_237 = arith.constant 16 : i32
          %shift_left3A_238 = vector.broadcast %shift_left3A_237 : i32 to vector<16xi32>
          %shift_left3A_239 = arith.shli %get3A_236, %shift_left3A_238 : vector<16xi32>
          %bitcast3A_240 = vector.bitcast %shift_left3A_239 : vector<16xi32> to vector<16xf32>
          %and3A_241 = arith.constant -65536 : i32
          %and3A_242 = vector.broadcast %and3A_241 : i32 to vector<16xi32>
          %and3A_243 = arith.andi %get3A_236, %and3A_242 : vector<16xi32>
          %bitcast3A_244 = vector.bitcast %and3A_243 : vector<16xi32> to vector<16xf32>
          %get3A_245 = arith.index_cast %add3A_162 : i32 to index
          %get3A_246 = arith.constant 96 : index
          %get3A_247 = tpu.vector_load %arg13[%get3A_245, %get3A_246] {strides = array<i32>} : memref<64x128xf32, #tpu.memory_space<vmem>>, vector<16xf32>,
          %mul3A_248 = arith.mulf %bitcast3A_240, %get3A_247 : vector<16xf32>
          %swap3A_249 = arith.index_cast %add3A_162 : i32 to index
          %swap3A_250 = arith.constant 96 : index
          %swap3A_251 = tpu.vector_load %arg15[%swap3A_249, %swap3A_250] {strides = array<i32>} : memref<64x128xf32, #tpu.memory_space<vmem>>, vector<16xf32>,
          tpu.vector_store %arg15[%swap3A_249, %swap3A_250], %mul3A_248 {strides = array<i32>} : memref<64x128xf32, #tpu.memory_space<vmem>>, vector<16xf32>,
          %get3A_252 = arith.index_cast %add3A_162 : i32 to index
          %get3A_253 = arith.constant 112 : index
          %get3A_254 = tpu.vector_load %arg13[%get3A_252, %get3A_253] {strides = array<i32>} : memref<64x128xf32, #tpu.memory_space<vmem>>, vector<16xf32>,
          %mul3A_255 = arith.mulf %bitcast3A_244, %get3A_254 : vector<16xf32>
          %swap3A_256 = arith.index_cast %add3A_162 : i32 to index
          %swap3A_257 = arith.constant 112 : index
          %swap3A_258 = tpu.vector_load %arg15[%swap3A_256, %swap3A_257] {strides = array<i32>} : memref<64x128xf32, #tpu.memory_space<vmem>>, vector<16xf32>,
          tpu.vector_store %arg15[%swap3A_256, %swap3A_257], %mul3A_255 {strides = array<i32>} : memref<64x128xf32, #tpu.memory_space<vmem>>, vector<16xf32>,
          %mul3A_259 = arith.constant 2 : i32
          %mul3A_260 = arith.muli %mul3A_259, %scan3A_157 : i32
          %add3A_261 = arith.constant 1 : i32
          %add3A_262 = arith.addi %mul3A_260, %add3A_261 : i32
          %get3A_263 = arith.index_cast %add3A_262 : i32 to index
          %get3A_264 = arith.constant 0 : index
          %get3A_265 = tpu.vector_load %arg11[%get3A_263, %get3A_264] {strides = array<i32>} : memref<64x64xi32, #tpu.memory_space<vmem>>, vector<16xi32>,
          %shift_left3A_266 = arith.constant 16 : i32
          %shift_left3A_267 = vector.broadcast %shift_left3A_266 : i32 to vector<16xi32>
          %shift_left3A_268 = arith.shli %get3A_265, %shift_left3A_267 : vector<16xi32>
          %bitcast3A_269 = vector.bitcast %shift_left3A_268 : vector<16xi32> to vector<16xf32>
          %and3A_270 = arith.constant -65536 : i32
          %and3A_271 = vector.broadcast %and3A_270 : i32 to vector<16xi32>
          %and3A_272 = arith.andi %get3A_265, %and3A_271 : vector<16xi32>
          %bitcast3A_273 = vector.bitcast %and3A_272 : vector<16xi32> to vector<16xf32>
          %get3A_274 = arith.index_cast %add3A_262 : i32 to index
          %get3A_275 = arith.constant 0 : index
          %get3A_276 = tpu.vector_load %arg13[%get3A_274, %get3A_275] {strides = array<i32>} : memref<64x128xf32, #tpu.memory_space<vmem>>, vector<16xf32>,
          %mul3A_277 = arith.mulf %bitcast3A_269, %get3A_276 : vector<16xf32>
          %swap3A_278 = arith.index_cast %add3A_262 : i32 to index
          %swap3A_279 = arith.constant 0 : index
          %swap3A_280 = tpu.vector_load %arg15[%swap3A_278, %swap3A_279] {strides = array<i32>} : memref<64x128xf32, #tpu.memory_space<vmem>>, vector<16xf32>,
          tpu.vector_store %arg15[%swap3A_278, %swap3A_279], %mul3A_277 {strides = array<i32>} : memref<64x128xf32, #tpu.memory_space<vmem>>, vector<16xf32>,
          %get3A_281 = arith.index_cast %add3A_262 : i32 to index
          %get3A_282 = arith.constant 16 : index
          %get3A_283 = tpu.vector_load %arg13[%get3A_281, %get3A_282] {strides = array<i32>} : memref<64x128xf32, #tpu.memory_space<vmem>>, vector<16xf32>,
          %mul3A_284 = arith.mulf %bitcast3A_273, %get3A_283 : vector<16xf32>
          %swap3A_285 = arith.index_cast %add3A_262 : i32 to index
          %swap3A_286 = arith.constant 16 : index
          %swap3A_287 = tpu.vector_load %arg15[%swap3A_285, %swap3A_286] {strides = array<i32>} : memref<64x128xf32, #tpu.memory_space<vmem>>, vector<16xf32>,
          tpu.vector_store %arg15[%swap3A_285, %swap3A_286], %mul3A_284 {strides = array<i32>} : memref<64x128xf32, #tpu.memory_space<vmem>>, vector<16xf32>,
          %get3A_288 = arith.index_cast %add3A_262 : i32 to index
          %get3A_289 = arith.constant 16 : index
          %get3A_290 = tpu.vector_load %arg11[%get3A_288, %get3A_289] {strides = array<i32>} : memref<64x64xi32, #tpu.memory_space<vmem>>, vector<16xi32>,
          %shift_left3A_291 = arith.constant 16 : i32
          %shift_left3A_292 = vector.broadcast %shift_left3A_291 : i32 to vector<16xi32>
          %shift_left3A_293 = arith.shli %get3A_290, %shift_left3A_292 : vector<16xi32>
          %bitcast3A_294 = vector.bitcast %shift_left3A_293 : vector<16xi32> to vector<16xf32>
          %and3A_295 = arith.constant -65536 : i32
          %and3A_296 = vector.broadcast %and3A_295 : i32 to vector<16xi32>
          %and3A_297 = arith.andi %get3A_290, %and3A_296 : vector<16xi32>
          %bitcast3A_298 = vector.bitcast %and3A_297 : vector<16xi32> to vector<16xf32>
          %get3A_299 = arith.index_cast %add3A_262 : i32 to index
          %get3A_300 = arith.constant 32 : index
          %get3A_301 = tpu.vector_load %arg13[%get3A_299, %get3A_300] {strides = array<i32>} : memref<64x128xf32, #tpu.memory_space<vmem>>, vector<16xf32>,
          %mul3A_302 = arith.mulf %bitcast3A_294, %get3A_301 : vector<16xf32>
          %swap3A_303 = arith.index_cast %add3A_262 : i32 to index
          %swap3A_304 = arith.constant 32 : index
          %swap3A_305 = tpu.vector_load %arg15[%swap3A_303, %swap3A_304] {strides = array<i32>} : memref<64x128xf32, #tpu.memory_space<vmem>>, vector<16xf32>,
          tpu.vector_store %arg15[%swap3A_303, %swap3A_304], %mul3A_302 {strides = array<i32>} : memref<64x128xf32, #tpu.memory_space<vmem>>, vector<16xf32>,
          %get3A_306 = arith.index_cast %add3A_262 : i32 to index
          %get3A_307 = arith.constant 48 : index
          %get3A_308 = tpu.vector_load %arg13[%get3A_306, %get3A_307] {strides = array<i32>} : memref<64x128xf32, #tpu.memory_space<vmem>>, vector<16xf32>,
          %mul3A_309 = arith.mulf %bitcast3A_298, %get3A_308 : vector<16xf32>
          %swap3A_310 = arith.index_cast %add3A_262 : i32 to index
          %swap3A_311 = arith.constant 48 : index
          %swap3A_312 = tpu.vector_load %arg15[%swap3A_310, %swap3A_311] {strides = array<i32>} : memref<64x128xf32, #tpu.memory_space<vmem>>, vector<16xf32>,
          tpu.vector_store %arg15[%swap3A_310, %swap3A_311], %mul3A_309 {strides = array<i32>} : memref<64x128xf32, #tpu.memory_space<vmem>>, vector<16xf32>,
          %get3A_313 = arith.index_cast %add3A_262 : i32 to index
          %get3A_314 = arith.constant 32 : index
          %get3A_315 = tpu.vector_load %arg11[%get3A_313, %get3A_314] {strides = array<i32>} : memref<64x64xi32, #tpu.memory_space<vmem>>, vector<16xi32>,
          %shift_left3A_316 = arith.constant 16 : i32
          %shift_left3A_317 = vector.broadcast %shift_left3A_316 : i32 to vector<16xi32>
          %shift_left3A_318 = arith.shli %get3A_315, %shift_left3A_317 : vector<16xi32>
          %bitcast3A_319 = vector.bitcast %shift_left3A_318 : vector<16xi32> to vector<16xf32>
          %and3A_320 = arith.constant -65536 : i32
          %and3A_321 = vector.broadcast %and3A_320 : i32 to vector<16xi32>
          %and3A_322 = arith.andi %get3A_315, %and3A_321 : vector<16xi32>
          %bitcast3A_323 = vector.bitcast %and3A_322 : vector<16xi32> to vector<16xf32>
          %get3A_324 = arith.index_cast %add3A_262 : i32 to index
          %get3A_325 = arith.constant 64 : index
          %get3A_326 = tpu.vector_load %arg13[%get3A_324, %get3A_325] {strides = array<i32>} : memref<64x128xf32, #tpu.memory_space<vmem>>, vector<16xf32>,
          %mul3A_327 = arith.mulf %bitcast3A_319, %get3A_326 : vector<16xf32>
          %swap3A_328 = arith.index_cast %add3A_262 : i32 to index
          %swap3A_329 = arith.constant 64 : index
          %swap3A_330 = tpu.vector_load %arg15[%swap3A_328, %swap3A_329] {strides = array<i32>} : memref<64x128xf32, #tpu.memory_space<vmem>>, vector<16xf32>,
          tpu.vector_store %arg15[%swap3A_328, %swap3A_329], %mul3A_327 {strides = array<i32>} : memref<64x128xf32, #tpu.memory_space<vmem>>, vector<16xf32>,
          %get3A_331 = arith.index_cast %add3A_262 : i32 to index
          %get3A_332 = arith.constant 80 : index
          %get3A_333 = tpu.vector_load %arg13[%get3A_331, %get3A_332] {strides = array<i32>} : memref<64x128xf32, #tpu.memory_space<vmem>>, vector<16xf32>,
          %mul3A_334 = arith.mulf %bitcast3A_323, %get3A_333 : vector<16xf32>
          %swap3A_335 = arith.index_cast %add3A_262 : i32 to index
          %swap3A_336 = arith.constant 80 : index
          %swap3A_337 = tpu.vector_load %arg15[%swap3A_335, %swap3A_336] {strides = array<i32>} : memref<64x128xf32, #tpu.memory_space<vmem>>, vector<16xf32>,
          tpu.vector_store %arg15[%swap3A_335, %swap3A_336], %mul3A_334 {strides = array<i32>} : memref<64x128xf32, #tpu.memory_space<vmem>>, vector<16xf32>,
          %get3A_338 = arith.index_cast %add3A_262 : i32 to index
          %get3A_339 = arith.constant 48 : index
          %get3A_340 = tpu.vector_load %arg11[%get3A_338, %get3A_339] {strides = array<i32>} : memref<64x64xi32, #tpu.memory_space<vmem>>, vector<16xi32>,
          %shift_left3A_341 = arith.constant 16 : i32
          %shift_left3A_342 = vector.broadcast %shift_left3A_341 : i32 to vector<16xi32>
          %shift_left3A_343 = arith.shli %get3A_340, %shift_left3A_342 : vector<16xi32>
          %bitcast3A_344 = vector.bitcast %shift_left3A_343 : vector<16xi32> to vector<16xf32>
          %and3A_345 = arith.constant -65536 : i32
          %and3A_346 = vector.broadcast %and3A_345 : i32 to vector<16xi32>
          %and3A_347 = arith.andi %get3A_340, %and3A_346 : vector<16xi32>
          %bitcast3A_348 = vector.bitcast %and3A_347 : vector<16xi32> to vector<16xf32>
          %get3A_349 = arith.index_cast %add3A_262 : i32 to index
          %get3A_350 = arith.constant 96 : index
          %get3A_351 = tpu.vector_load %arg13[%get3A_349, %get3A_350] {strides = array<i32>} : memref<64x128xf32, #tpu.memory_space<vmem>>, vector<16xf32>,
          %mul3A_352 = arith.mulf %bitcast3A_344, %get3A_351 : vector<16xf32>
          %swap3A_353 = arith.index_cast %add3A_262 : i32 to index
          %swap3A_354 = arith.constant 96 : index
          %swap3A_355 = tpu.vector_load %arg15[%swap3A_353, %swap3A_354] {strides = array<i32>} : memref<64x128xf32, #tpu.memory_space<vmem>>, vector<16xf32>,
          tpu.vector_store %arg15[%swap3A_353, %swap3A_354], %mul3A_352 {strides = array<i32>} : memref<64x128xf32, #tpu.memory_space<vmem>>, vector<16xf32>,
          %get3A_356 = arith.index_cast %add3A_262 : i32 to index
          %get3A_357 = arith.constant 112 : index
          %get3A_358 = tpu.vector_load %arg13[%get3A_356, %get3A_357] {strides = array<i32>} : memref<64x128xf32, #tpu.memory_space<vmem>>, vector<16xf32>,
          %mul3A_359 = arith.mulf %bitcast3A_348, %get3A_358 : vector<16xf32>
          %swap3A_360 = arith.index_cast %add3A_262 : i32 to index
          %swap3A_361 = arith.constant 112 : index
          %swap3A_362 = tpu.vector_load %arg15[%swap3A_360, %swap3A_361] {strides = array<i32>} : memref<64x128xf32, #tpu.memory_space<vmem>>, vector<16xf32>,
          tpu.vector_store %arg15[%swap3A_360, %swap3A_361], %mul3A_359 {strides = array<i32>} : memref<64x128xf32, #tpu.memory_space<vmem>>, vector<16xf32>,
          %scan3A_363 = arith.constant 0 : i32
          scf.yield %scan3A_363 : i32
        }
        %scan3A_156 = arith.constant 32 : i32
        "tpu.region"() ({
          %run_scoped3A = tpu.sem_alloc : memref<!tpu.dma_semaphore, #tpu.memory_space<semaphore_mem>>
          %dma_start3A_157 = arith.constant 0 : i32
          %dma_start3A_158 = arith.constant 0 : i32
          %dma_start3A_159 = tpu.memref_slice %arg16[%dma_start3A_157, %dma_start3A_158] : memref<10000x128xf32, #tpu.memory_space<vmem_shared>> -> memref<10000x128xf32, #tpu.memory_space<vmem_shared>>
          tpu.enqueue_indirect_dma source(%arg15 : memref<64x128xf32, #tpu.memory_space<vmem>>) target(%dma_start3A_159 : memref<10000x128xf32, #tpu.memory_space<vmem_shared>>) offsets(%arg9 : memref<64xi32, #tpu.memory_space<vmem>>) semaphore(%run_scoped3A : memref<!tpu.dma_semaphore, #tpu.memory_space<semaphore_mem>>) {add = true}
          %dma_wait3A_160 = arith.constant 0 : i32
          %dma_wait3A_161 = arith.constant 0 : i32
          %dma_wait3A_162 = tpu.memref_slice %arg16[%dma_wait3A_160, %dma_wait3A_161] : memref<10000x128xf32, #tpu.memory_space<vmem_shared>> -> memref<10000x128xf32, #tpu.memory_space<vmem_shared>>
          tpu.wait_indirect_dma semaphore(%run_scoped3A : memref<!tpu.dma_semaphore, #tpu.memory_space<semaphore_mem>>) src(%arg15 : memref<64x128xf32, #tpu.memory_space<vmem>>) dst(%dma_wait3A_162 : memref<10000x128xf32, #tpu.memory_space<vmem_shared>>)
          tpu.yield
        }) : () -> ()
      } else {
      }
      %mul3A_118 = arith.constant 2 : i32
      %mul3A_119 = arith.muli %mul3A_118, %scan3A_105 : i32
      %add3A_120 = arith.constant 1 : i32
      %add3A_121 = arith.addi %mul3A_119, %add3A_120 : i32
      %add3A_122 = arith.constant 1 : i32
      %add3A_123 = arith.addi %add3A_121, %add3A_122 : i32
      %lt3A_124 = arith.cmpi slt, %add3A_123, %select_n3A_69 : i32
      %convert_element_type3A_125 = arith.extui %lt3A_124 : i1 to i32
      %cond3A_126 = arith.constant 0 : i32
      %cond3A_127 = arith.cmpi ne, %convert_element_type3A_125, %cond3A_126 : i32
      scf.if %cond3A_127 {
        %add3A_133 = arith.constant 1 : i32
        %add3A_134 = arith.addi %add3A_121, %add3A_133 : i32
        %mul3A_135 = arith.constant 32 : i32
        %mul3A_136 = arith.muli %add3A_134, %mul3A_135 : i32
        %add3A_137 = arith.addi %add3A, %mul3A_136 : i32
        %mul3A_138 = arith.constant 64 : i32
        %mul3A_139 = arith.muli %add3A_137, %mul3A_138 : i32
        %dma_start3A_140 = tpu.memref_slice %arg4[%mul3A_139] : memref<160000xi32, #tpu.memory_space<hbm>> -> memref<64xi32, #tpu.memory_space<hbm>>
        %dma_start3A_141 = tpu.memref_slice %arg4[%mul3A_139] : memref<160000xi32, #tpu.memory_space<hbm>> -> memref<64xi32, #tpu.memory_space<hbm>>
        tpu.enqueue_dma source(%dma_start3A_141 : memref<64xi32, #tpu.memory_space<hbm>>) target(%arg7 : memref<64xi32, #tpu.memory_space<vmem>>) target_semaphore(%arg17 : memref<!tpu.dma_semaphore, #tpu.memory_space<semaphore_mem>>)
        %dma_start3A_142 = tpu.memref_slice %arg5[%mul3A_139] : memref<160000xi32, #tpu.memory_space<hbm>> -> memref<64xi32, #tpu.memory_space<hbm>>
        %dma_start3A_143 = tpu.memref_slice %arg5[%mul3A_139] : memref<160000xi32, #tpu.memory_space<hbm>> -> memref<64xi32, #tpu.memory_space<hbm>>
        tpu.enqueue_dma source(%dma_start3A_143 : memref<64xi32, #tpu.memory_space<hbm>>) target(%arg9 : memref<64xi32, #tpu.memory_space<vmem>>) target_semaphore(%arg19 : memref<!tpu.dma_semaphore, #tpu.memory_space<semaphore_mem>>)
        %dma_start3A_144 = arith.constant 0 : i32
        %dma_start3A_145 = tpu.memref_slice %arg3[%mul3A_139, %dma_start3A_144] : memref<160000x64xi32, #tpu.memory_space<hbm>> -> memref<64x64xi32, #tpu.memory_space<hbm>>
        %dma_start3A_146 = arith.constant 0 : i32
        %dma_start3A_147 = tpu.memref_slice %arg3[%mul3A_139, %dma_start3A_146] : memref<160000x64xi32, #tpu.memory_space<hbm>> -> memref<64x64xi32, #tpu.memory_space<hbm>>
        tpu.enqueue_dma source(%dma_start3A_147 : memref<64x64xi32, #tpu.memory_space<hbm>>) target(%arg11 : memref<64x64xi32, #tpu.memory_space<vmem>>) target_semaphore(%arg19 : memref<!tpu.dma_semaphore, #tpu.memory_space<semaphore_mem>>)
        %dma_wait3A_148 = tpu.memref_slice %arg4[%mul3A_139] : memref<160000xi32, #tpu.memory_space<hbm>> -> memref<64xi32, #tpu.memory_space<hbm>>
        %dma_wait3A_149 = tpu.memref_slice %arg4[%mul3A_139] : memref<160000xi32, #tpu.memory_space<hbm>> -> memref<64xi32, #tpu.memory_space<hbm>>
        tpu.wait_dma2 semaphore(%arg17 : memref<!tpu.dma_semaphore, #tpu.memory_space<semaphore_mem>>) src(%dma_wait3A_149 : memref<64xi32, #tpu.memory_space<hbm>>) dst(%arg7 : memref<64xi32, #tpu.memory_space<vmem>>)
        %dma_start3A_150 = arith.constant 0 : i32
        %dma_start3A_151 = arith.constant 0 : i32
        %dma_start3A_152 = tpu.memref_slice %arg2[%dma_start3A_150, %dma_start3A_151] : memref<10000x128xf32, #tpu.memory_space<hbm>> -> memref<10000x128xf32, #tpu.memory_space<hbm>>
        tpu.enqueue_indirect_dma source(%dma_start3A_152 : memref<10000x128xf32, #tpu.memory_space<hbm>>) target(%arg13 : memref<64x128xf32, #tpu.memory_space<vmem>>) offsets(%arg7 : memref<64xi32, #tpu.memory_space<vmem>>) semaphore(%arg21 : memref<!tpu.dma_semaphore, #tpu.memory_space<semaphore_mem>>)
      } else {
      }
      %lt3A_128 = arith.cmpi slt, %add3A_121, %select_n3A_69 : i32
      %convert_element_type3A_129 = arith.extui %lt3A_128 : i1 to i32
      %cond3A_130 = arith.constant 0 : i32
      %cond3A_131 = arith.cmpi ne, %convert_element_type3A_129, %cond3A_130 : i32
      scf.if %cond3A_131 {
        %mul3A_133 = arith.constant 32 : i32
        %mul3A_134 = arith.muli %add3A_121, %mul3A_133 : i32
        %add3A_135 = arith.addi %add3A, %mul3A_134 : i32
        %mul3A_136 = arith.constant 64 : i32
        %mul3A_137 = arith.muli %add3A_135, %mul3A_136 : i32
        %dma_wait3A_138 = tpu.memref_slice %arg5[%mul3A_137] : memref<160000xi32, #tpu.memory_space<hbm>> -> memref<64xi32, #tpu.memory_space<hbm>>
        %dma_wait3A_139 = tpu.memref_slice %arg5[%mul3A_137] : memref<160000xi32, #tpu.memory_space<hbm>> -> memref<64xi32, #tpu.memory_space<hbm>>
        tpu.wait_dma2 semaphore(%arg20 : memref<!tpu.dma_semaphore, #tpu.memory_space<semaphore_mem>>) src(%dma_wait3A_139 : memref<64xi32, #tpu.memory_space<hbm>>) dst(%arg10 : memref<64xi32, #tpu.memory_space<vmem>>)
        %dma_wait3A_140 = arith.constant 0 : i32
        %dma_wait3A_141 = tpu.memref_slice %arg3[%mul3A_137, %dma_wait3A_140] : memref<160000x64xi32, #tpu.memory_space<hbm>> -> memref<64x64xi32, #tpu.memory_space<hbm>>
        %dma_wait3A_142 = arith.constant 0 : i32
        %dma_wait3A_143 = tpu.memref_slice %arg3[%mul3A_137, %dma_wait3A_142] : memref<160000x64xi32, #tpu.memory_space<hbm>> -> memref<64x64xi32, #tpu.memory_space<hbm>>
        tpu.wait_dma2 semaphore(%arg20 : memref<!tpu.dma_semaphore, #tpu.memory_space<semaphore_mem>>) src(%dma_wait3A_143 : memref<64x64xi32, #tpu.memory_space<hbm>>) dst(%arg12 : memref<64x64xi32, #tpu.memory_space<vmem>>)
        %dma_wait3A_144 = arith.constant 0 : i32
        %dma_wait3A_145 = arith.constant 0 : i32
        %dma_wait3A_146 = tpu.memref_slice %arg2[%dma_wait3A_144, %dma_wait3A_145] : memref<10000x128xf32, #tpu.memory_space<hbm>> -> memref<64x128xf32, #tpu.memory_space<hbm>>
        %dma_wait3A_147 = arith.constant 0 : i32
        %dma_wait3A_148 = arith.constant 0 : i32
        %dma_wait3A_149 = tpu.memref_slice %arg2[%dma_wait3A_147, %dma_wait3A_148] : memref<10000x128xf32, #tpu.memory_space<hbm>> -> memref<64x128xf32, #tpu.memory_space<hbm>>
        tpu.wait_dma2 semaphore(%arg22 : memref<!tpu.dma_semaphore, #tpu.memory_space<semaphore_mem>>) src(%dma_wait3A_149 : memref<64x128xf32, #tpu.memory_space<hbm>>) dst(%arg14 : memref<64x128xf32, #tpu.memory_space<vmem>>)
        %scan3A_150 = arith.constant 0 : i32
        %scan3A_151 = arith.constant 0 : i32
        %scan3A_152 = arith.constant 32 : i32
        %scan3A_153 = arith.addi %scan3A_151, %scan3A_152 : i32
        %scan3A_154 = arith.constant 1 : i32
        %scan3A_155 = scf.for %scan3A_157 = %scan3A_151 to %scan3A_153 step %scan3A_154 iter_args(%scan3A_158 = %scan3A_150) -> (i32)  : i32 {
          %mul3A_159 = arith.constant 2 : i32
          %mul3A_160 = arith.muli %mul3A_159, %scan3A_157 : i32
          %add3A_161 = arith.constant 0 : i32
          %add3A_162 = arith.addi %mul3A_160, %add3A_161 : i32
          %get3A = arith.index_cast %add3A_162 : i32 to index
          %get3A_163 = arith.constant 0 : index
          %get3A_164 = tpu.vector_load %arg12[%get3A, %get3A_163] {strides = array<i32>} : memref<64x64xi32, #tpu.memory_space<vmem>>, vector<16xi32>,
          %shift_left3A = arith.constant 16 : i32
          %shift_left3A_165 = vector.broadcast %shift_left3A : i32 to vector<16xi32>
          %shift_left3A_166 = arith.shli %get3A_164, %shift_left3A_165 : vector<16xi32>
          %bitcast3A = vector.bitcast %shift_left3A_166 : vector<16xi32> to vector<16xf32>
          %and3A_167 = arith.constant -65536 : i32
          %and3A_168 = vector.broadcast %and3A_167 : i32 to vector<16xi32>
          %and3A_169 = arith.andi %get3A_164, %and3A_168 : vector<16xi32>
          %bitcast3A_170 = vector.bitcast %and3A_169 : vector<16xi32> to vector<16xf32>
          %get3A_171 = arith.index_cast %add3A_162 : i32 to index
          %get3A_172 = arith.constant 0 : index
          %get3A_173 = tpu.vector_load %arg14[%get3A_171, %get3A_172] {strides = array<i32>} : memref<64x128xf32, #tpu.memory_space<vmem>>, vector<16xf32>,
          %mul3A_174 = arith.mulf %bitcast3A, %get3A_173 : vector<16xf32>
          %swap3A = arith.index_cast %add3A_162 : i32 to index
          %swap3A_175 = arith.constant 0 : index
          %swap3A_176 = tpu.vector_load %arg15[%swap3A, %swap3A_175] {strides = array<i32>} : memref<64x128xf32, #tpu.memory_space<vmem>>, vector<16xf32>,
          tpu.vector_store %arg15[%swap3A, %swap3A_175], %mul3A_174 {strides = array<i32>} : memref<64x128xf32, #tpu.memory_space<vmem>>, vector<16xf32>,
          %get3A_177 = arith.index_cast %add3A_162 : i32 to index
          %get3A_178 = arith.constant 16 : index
          %get3A_179 = tpu.vector_load %arg14[%get3A_177, %get3A_178] {strides = array<i32>} : memref<64x128xf32, #tpu.memory_space<vmem>>, vector<16xf32>,
          %mul3A_180 = arith.mulf %bitcast3A_170, %get3A_179 : vector<16xf32>
          %swap3A_181 = arith.index_cast %add3A_162 : i32 to index
          %swap3A_182 = arith.constant 16 : index
          %swap3A_183 = tpu.vector_load %arg15[%swap3A_181, %swap3A_182] {strides = array<i32>} : memref<64x128xf32, #tpu.memory_space<vmem>>, vector<16xf32>,
          tpu.vector_store %arg15[%swap3A_181, %swap3A_182], %mul3A_180 {strides = array<i32>} : memref<64x128xf32, #tpu.memory_space<vmem>>, vector<16xf32>,
          %get3A_184 = arith.index_cast %add3A_162 : i32 to index
          %get3A_185 = arith.constant 16 : index
          %get3A_186 = tpu.vector_load %arg12[%get3A_184, %get3A_185] {strides = array<i32>} : memref<64x64xi32, #tpu.memory_space<vmem>>, vector<16xi32>,
          %shift_left3A_187 = arith.constant 16 : i32
          %shift_left3A_188 = vector.broadcast %shift_left3A_187 : i32 to vector<16xi32>
          %shift_left3A_189 = arith.shli %get3A_186, %shift_left3A_188 : vector<16xi32>
          %bitcast3A_190 = vector.bitcast %shift_left3A_189 : vector<16xi32> to vector<16xf32>
          %and3A_191 = arith.constant -65536 : i32
          %and3A_192 = vector.broadcast %and3A_191 : i32 to vector<16xi32>
          %and3A_193 = arith.andi %get3A_186, %and3A_192 : vector<16xi32>
          %bitcast3A_194 = vector.bitcast %and3A_193 : vector<16xi32> to vector<16xf32>
          %get3A_195 = arith.index_cast %add3A_162 : i32 to index
          %get3A_196 = arith.constant 32 : index
          %get3A_197 = tpu.vector_load %arg14[%get3A_195, %get3A_196] {strides = array<i32>} : memref<64x128xf32, #tpu.memory_space<vmem>>, vector<16xf32>,
          %mul3A_198 = arith.mulf %bitcast3A_190, %get3A_197 : vector<16xf32>
          %swap3A_199 = arith.index_cast %add3A_162 : i32 to index
          %swap3A_200 = arith.constant 32 : index
          %swap3A_201 = tpu.vector_load %arg15[%swap3A_199, %swap3A_200] {strides = array<i32>} : memref<64x128xf32, #tpu.memory_space<vmem>>, vector<16xf32>,
          tpu.vector_store %arg15[%swap3A_199, %swap3A_200], %mul3A_198 {strides = array<i32>} : memref<64x128xf32, #tpu.memory_space<vmem>>, vector<16xf32>,
          %get3A_202 = arith.index_cast %add3A_162 : i32 to index
          %get3A_203 = arith.constant 48 : index
          %get3A_204 = tpu.vector_load %arg14[%get3A_202, %get3A_203] {strides = array<i32>} : memref<64x128xf32, #tpu.memory_space<vmem>>, vector<16xf32>,
          %mul3A_205 = arith.mulf %bitcast3A_194, %get3A_204 : vector<16xf32>
          %swap3A_206 = arith.index_cast %add3A_162 : i32 to index
          %swap3A_207 = arith.constant 48 : index
          %swap3A_208 = tpu.vector_load %arg15[%swap3A_206, %swap3A_207] {strides = array<i32>} : memref<64x128xf32, #tpu.memory_space<vmem>>, vector<16xf32>,
          tpu.vector_store %arg15[%swap3A_206, %swap3A_207], %mul3A_205 {strides = array<i32>} : memref<64x128xf32, #tpu.memory_space<vmem>>, vector<16xf32>,
          %get3A_209 = arith.index_cast %add3A_162 : i32 to index
          %get3A_210 = arith.constant 32 : index
          %get3A_211 = tpu.vector_load %arg12[%get3A_209, %get3A_210] {strides = array<i32>} : memref<64x64xi32, #tpu.memory_space<vmem>>, vector<16xi32>,
          %shift_left3A_212 = arith.constant 16 : i32
          %shift_left3A_213 = vector.broadcast %shift_left3A_212 : i32 to vector<16xi32>
          %shift_left3A_214 = arith.shli %get3A_211, %shift_left3A_213 : vector<16xi32>
          %bitcast3A_215 = vector.bitcast %shift_left3A_214 : vector<16xi32> to vector<16xf32>
          %and3A_216 = arith.constant -65536 : i32
          %and3A_217 = vector.broadcast %and3A_216 : i32 to vector<16xi32>
          %and3A_218 = arith.andi %get3A_211, %and3A_217 : vector<16xi32>
          %bitcast3A_219 = vector.bitcast %and3A_218 : vector<16xi32> to vector<16xf32>
          %get3A_220 = arith.index_cast %add3A_162 : i32 to index
          %get3A_221 = arith.constant 64 : index
          %get3A_222 = tpu.vector_load %arg14[%get3A_220, %get3A_221] {strides = array<i32>} : memref<64x128xf32, #tpu.memory_space<vmem>>, vector<16xf32>,
          %mul3A_223 = arith.mulf %bitcast3A_215, %get3A_222 : vector<16xf32>
          %swap3A_224 = arith.index_cast %add3A_162 : i32 to index
          %swap3A_225 = arith.constant 64 : index
          %swap3A_226 = tpu.vector_load %arg15[%swap3A_224, %swap3A_225] {strides = array<i32>} : memref<64x128xf32, #tpu.memory_space<vmem>>, vector<16xf32>,
          tpu.vector_store %arg15[%swap3A_224, %swap3A_225], %mul3A_223 {strides = array<i32>} : memref<64x128xf32, #tpu.memory_space<vmem>>, vector<16xf32>,
          %get3A_227 = arith.index_cast %add3A_162 : i32 to index
          %get3A_228 = arith.constant 80 : index
          %get3A_229 = tpu.vector_load %arg14[%get3A_227, %get3A_228] {strides = array<i32>} : memref<64x128xf32, #tpu.memory_space<vmem>>, vector<16xf32>,
          %mul3A_230 = arith.mulf %bitcast3A_219, %get3A_229 : vector<16xf32>
          %swap3A_231 = arith.index_cast %add3A_162 : i32 to index
          %swap3A_232 = arith.constant 80 : index
          %swap3A_233 = tpu.vector_load %arg15[%swap3A_231, %swap3A_232] {strides = array<i32>} : memref<64x128xf32, #tpu.memory_space<vmem>>, vector<16xf32>,
          tpu.vector_store %arg15[%swap3A_231, %swap3A_232], %mul3A_230 {strides = array<i32>} : memref<64x128xf32, #tpu.memory_space<vmem>>, vector<16xf32>,
          %get3A_234 = arith.index_cast %add3A_162 : i32 to index
          %get3A_235 = arith.constant 48 : index
          %get3A_236 = tpu.vector_load %arg12[%get3A_234, %get3A_235] {strides = array<i32>} : memref<64x64xi32, #tpu.memory_space<vmem>>, vector<16xi32>,
          %shift_left3A_237 = arith.constant 16 : i32
          %shift_left3A_238 = vector.broadcast %shift_left3A_237 : i32 to vector<16xi32>
          %shift_left3A_239 = arith.shli %get3A_236, %shift_left3A_238 : vector<16xi32>
          %bitcast3A_240 = vector.bitcast %shift_left3A_239 : vector<16xi32> to vector<16xf32>
          %and3A_241 = arith.constant -65536 : i32
          %and3A_242 = vector.broadcast %and3A_241 : i32 to vector<16xi32>
          %and3A_243 = arith.andi %get3A_236, %and3A_242 : vector<16xi32>
          %bitcast3A_244 = vector.bitcast %and3A_243 : vector<16xi32> to vector<16xf32>
          %get3A_245 = arith.index_cast %add3A_162 : i32 to index
          %get3A_246 = arith.constant 96 : index
          %get3A_247 = tpu.vector_load %arg14[%get3A_245, %get3A_246] {strides = array<i32>} : memref<64x128xf32, #tpu.memory_space<vmem>>, vector<16xf32>,
          %mul3A_248 = arith.mulf %bitcast3A_240, %get3A_247 : vector<16xf32>
          %swap3A_249 = arith.index_cast %add3A_162 : i32 to index
          %swap3A_250 = arith.constant 96 : index
          %swap3A_251 = tpu.vector_load %arg15[%swap3A_249, %swap3A_250] {strides = array<i32>} : memref<64x128xf32, #tpu.memory_space<vmem>>, vector<16xf32>,
          tpu.vector_store %arg15[%swap3A_249, %swap3A_250], %mul3A_248 {strides = array<i32>} : memref<64x128xf32, #tpu.memory_space<vmem>>, vector<16xf32>,
          %get3A_252 = arith.index_cast %add3A_162 : i32 to index
          %get3A_253 = arith.constant 112 : index
          %get3A_254 = tpu.vector_load %arg14[%get3A_252, %get3A_253] {strides = array<i32>} : memref<64x128xf32, #tpu.memory_space<vmem>>, vector<16xf32>,
          %mul3A_255 = arith.mulf %bitcast3A_244, %get3A_254 : vector<16xf32>
          %swap3A_256 = arith.index_cast %add3A_162 : i32 to index
          %swap3A_257 = arith.constant 112 : index
          %swap3A_258 = tpu.vector_load %arg15[%swap3A_256, %swap3A_257] {strides = array<i32>} : memref<64x128xf32, #tpu.memory_space<vmem>>, vector<16xf32>,
          tpu.vector_store %arg15[%swap3A_256, %swap3A_257], %mul3A_255 {strides = array<i32>} : memref<64x128xf32, #tpu.memory_space<vmem>>, vector<16xf32>,
          %mul3A_259 = arith.constant 2 : i32
          %mul3A_260 = arith.muli %mul3A_259, %scan3A_157 : i32
          %add3A_261 = arith.constant 1 : i32
          %add3A_262 = arith.addi %mul3A_260, %add3A_261 : i32
          %get3A_263 = arith.index_cast %add3A_262 : i32 to index
          %get3A_264 = arith.constant 0 : index
          %get3A_265 = tpu.vector_load %arg12[%get3A_263, %get3A_264] {strides = array<i32>} : memref<64x64xi32, #tpu.memory_space<vmem>>, vector<16xi32>,
          %shift_left3A_266 = arith.constant 16 : i32
          %shift_left3A_267 = vector.broadcast %shift_left3A_266 : i32 to vector<16xi32>
          %shift_left3A_268 = arith.shli %get3A_265, %shift_left3A_267 : vector<16xi32>
          %bitcast3A_269 = vector.bitcast %shift_left3A_268 : vector<16xi32> to vector<16xf32>
          %and3A_270 = arith.constant -65536 : i32
          %and3A_271 = vector.broadcast %and3A_270 : i32 to vector<16xi32>
          %and3A_272 = arith.andi %get3A_265, %and3A_271 : vector<16xi32>
          %bitcast3A_273 = vector.bitcast %and3A_272 : vector<16xi32> to vector<16xf32>
          %get3A_274 = arith.index_cast %add3A_262 : i32 to index
          %get3A_275 = arith.constant 0 : index
          %get3A_276 = tpu.vector_load %arg14[%get3A_274, %get3A_275] {strides = array<i32>} : memref<64x128xf32, #tpu.memory_space<vmem>>, vector<16xf32>,
          %mul3A_277 = arith.mulf %bitcast3A_269, %get3A_276 : vector<16xf32>
          %swap3A_278 = arith.index_cast %add3A_262 : i32 to index
          %swap3A_279 = arith.constant 0 : index
          %swap3A_280 = tpu.vector_load %arg15[%swap3A_278, %swap3A_279] {strides = array<i32>} : memref<64x128xf32, #tpu.memory_space<vmem>>, vector<16xf32>,
          tpu.vector_store %arg15[%swap3A_278, %swap3A_279], %mul3A_277 {strides = array<i32>} : memref<64x128xf32, #tpu.memory_space<vmem>>, vector<16xf32>,
          %get3A_281 = arith.index_cast %add3A_262 : i32 to index
          %get3A_282 = arith.constant 16 : index
          %get3A_283 = tpu.vector_load %arg14[%get3A_281, %get3A_282] {strides = array<i32>} : memref<64x128xf32, #tpu.memory_space<vmem>>, vector<16xf32>,
          %mul3A_284 = arith.mulf %bitcast3A_273, %get3A_283 : vector<16xf32>
          %swap3A_285 = arith.index_cast %add3A_262 : i32 to index
          %swap3A_286 = arith.constant 16 : index
          %swap3A_287 = tpu.vector_load %arg15[%swap3A_285, %swap3A_286] {strides = array<i32>} : memref<64x128xf32, #tpu.memory_space<vmem>>, vector<16xf32>,
          tpu.vector_store %arg15[%swap3A_285, %swap3A_286], %mul3A_284 {strides = array<i32>} : memref<64x128xf32, #tpu.memory_space<vmem>>, vector<16xf32>,
          %get3A_288 = arith.index_cast %add3A_262 : i32 to index
          %get3A_289 = arith.constant 16 : index
          %get3A_290 = tpu.vector_load %arg12[%get3A_288, %get3A_289] {strides = array<i32>} : memref<64x64xi32, #tpu.memory_space<vmem>>, vector<16xi32>,
          %shift_left3A_291 = arith.constant 16 : i32
          %shift_left3A_292 = vector.broadcast %shift_left3A_291 : i32 to vector<16xi32>
          %shift_left3A_293 = arith.shli %get3A_290, %shift_left3A_292 : vector<16xi32>
          %bitcast3A_294 = vector.bitcast %shift_left3A_293 : vector<16xi32> to vector<16xf32>
          %and3A_295 = arith.constant -65536 : i32
          %and3A_296 = vector.broadcast %and3A_295 : i32 to vector<16xi32>
          %and3A_297 = arith.andi %get3A_290, %and3A_296 : vector<16xi32>
          %bitcast3A_298 = vector.bitcast %and3A_297 : vector<16xi32> to vector<16xf32>
          %get3A_299 = arith.index_cast %add3A_262 : i32 to index
          %get3A_300 = arith.constant 32 : index
          %get3A_301 = tpu.vector_load %arg14[%get3A_299, %get3A_300] {strides = array<i32>} : memref<64x128xf32, #tpu.memory_space<vmem>>, vector<16xf32>,
          %mul3A_302 = arith.mulf %bitcast3A_294, %get3A_301 : vector<16xf32>
          %swap3A_303 = arith.index_cast %add3A_262 : i32 to index
          %swap3A_304 = arith.constant 32 : index
          %swap3A_305 = tpu.vector_load %arg15[%swap3A_303, %swap3A_304] {strides = array<i32>} : memref<64x128xf32, #tpu.memory_space<vmem>>, vector<16xf32>,
          tpu.vector_store %arg15[%swap3A_303, %swap3A_304], %mul3A_302 {strides = array<i32>} : memref<64x128xf32, #tpu.memory_space<vmem>>, vector<16xf32>,
          %get3A_306 = arith.index_cast %add3A_262 : i32 to index
          %get3A_307 = arith.constant 48 : index
          %get3A_308 = tpu.vector_load %arg14[%get3A_306, %get3A_307] {strides = array<i32>} : memref<64x128xf32, #tpu.memory_space<vmem>>, vector<16xf32>,
          %mul3A_309 = arith.mulf %bitcast3A_298, %get3A_308 : vector<16xf32>
          %swap3A_310 = arith.index_cast %add3A_262 : i32 to index
          %swap3A_311 = arith.constant 48 : index
          %swap3A_312 = tpu.vector_load %arg15[%swap3A_310, %swap3A_311] {strides = array<i32>} : memref<64x128xf32, #tpu.memory_space<vmem>>, vector<16xf32>,
          tpu.vector_store %arg15[%swap3A_310, %swap3A_311], %mul3A_309 {strides = array<i32>} : memref<64x128xf32, #tpu.memory_space<vmem>>, vector<16xf32>,
          %get3A_313 = arith.index_cast %add3A_262 : i32 to index
          %get3A_314 = arith.constant 32 : index
          %get3A_315 = tpu.vector_load %arg12[%get3A_313, %get3A_314] {strides = array<i32>} : memref<64x64xi32, #tpu.memory_space<vmem>>, vector<16xi32>,
          %shift_left3A_316 = arith.constant 16 : i32
          %shift_left3A_317 = vector.broadcast %shift_left3A_316 : i32 to vector<16xi32>
          %shift_left3A_318 = arith.shli %get3A_315, %shift_left3A_317 : vector<16xi32>
          %bitcast3A_319 = vector.bitcast %shift_left3A_318 : vector<16xi32> to vector<16xf32>
          %and3A_320 = arith.constant -65536 : i32
          %and3A_321 = vector.broadcast %and3A_320 : i32 to vector<16xi32>
          %and3A_322 = arith.andi %get3A_315, %and3A_321 : vector<16xi32>
          %bitcast3A_323 = vector.bitcast %and3A_322 : vector<16xi32> to vector<16xf32>
          %get3A_324 = arith.index_cast %add3A_262 : i32 to index
          %get3A_325 = arith.constant 64 : index
          %get3A_326 = tpu.vector_load %arg14[%get3A_324, %get3A_325] {strides = array<i32>} : memref<64x128xf32, #tpu.memory_space<vmem>>, vector<16xf32>,
          %mul3A_327 = arith.mulf %bitcast3A_319, %get3A_326 : vector<16xf32>
          %swap3A_328 = arith.index_cast %add3A_262 : i32 to index
          %swap3A_329 = arith.constant 64 : index
          %swap3A_330 = tpu.vector_load %arg15[%swap3A_328, %swap3A_329] {strides = array<i32>} : memref<64x128xf32, #tpu.memory_space<vmem>>, vector<16xf32>,
          tpu.vector_store %arg15[%swap3A_328, %swap3A_329], %mul3A_327 {strides = array<i32>} : memref<64x128xf32, #tpu.memory_space<vmem>>, vector<16xf32>,
          %get3A_331 = arith.index_cast %add3A_262 : i32 to index
          %get3A_332 = arith.constant 80 : index
          %get3A_333 = tpu.vector_load %arg14[%get3A_331, %get3A_332] {strides = array<i32>} : memref<64x128xf32, #tpu.memory_space<vmem>>, vector<16xf32>,
          %mul3A_334 = arith.mulf %bitcast3A_323, %get3A_333 : vector<16xf32>
          %swap3A_335 = arith.index_cast %add3A_262 : i32 to index
          %swap3A_336 = arith.constant 80 : index
          %swap3A_337 = tpu.vector_load %arg15[%swap3A_335, %swap3A_336] {strides = array<i32>} : memref<64x128xf32, #tpu.memory_space<vmem>>, vector<16xf32>,
          tpu.vector_store %arg15[%swap3A_335, %swap3A_336], %mul3A_334 {strides = array<i32>} : memref<64x128xf32, #tpu.memory_space<vmem>>, vector<16xf32>,
          %get3A_338 = arith.index_cast %add3A_262 : i32 to index
          %get3A_339 = arith.constant 48 : index
          %get3A_340 = tpu.vector_load %arg12[%get3A_338, %get3A_339] {strides = array<i32>} : memref<64x64xi32, #tpu.memory_space<vmem>>, vector<16xi32>,
          %shift_left3A_341 = arith.constant 16 : i32
          %shift_left3A_342 = vector.broadcast %shift_left3A_341 : i32 to vector<16xi32>
          %shift_left3A_343 = arith.shli %get3A_340, %shift_left3A_342 : vector<16xi32>
          %bitcast3A_344 = vector.bitcast %shift_left3A_343 : vector<16xi32> to vector<16xf32>
          %and3A_345 = arith.constant -65536 : i32
          %and3A_346 = vector.broadcast %and3A_345 : i32 to vector<16xi32>
          %and3A_347 = arith.andi %get3A_340, %and3A_346 : vector<16xi32>
          %bitcast3A_348 = vector.bitcast %and3A_347 : vector<16xi32> to vector<16xf32>
          %get3A_349 = arith.index_cast %add3A_262 : i32 to index
          %get3A_350 = arith.constant 96 : index
          %get3A_351 = tpu.vector_load %arg14[%get3A_349, %get3A_350] {strides = array<i32>} : memref<64x128xf32, #tpu.memory_space<vmem>>, vector<16xf32>,
          %mul3A_352 = arith.mulf %bitcast3A_344, %get3A_351 : vector<16xf32>
          %swap3A_353 = arith.index_cast %add3A_262 : i32 to index
          %swap3A_354 = arith.constant 96 : index
          %swap3A_355 = tpu.vector_load %arg15[%swap3A_353, %swap3A_354] {strides = array<i32>} : memref<64x128xf32, #tpu.memory_space<vmem>>, vector<16xf32>,
          tpu.vector_store %arg15[%swap3A_353, %swap3A_354], %mul3A_352 {strides = array<i32>} : memref<64x128xf32, #tpu.memory_space<vmem>>, vector<16xf32>,
          %get3A_356 = arith.index_cast %add3A_262 : i32 to index
          %get3A_357 = arith.constant 112 : index
          %get3A_358 = tpu.vector_load %arg14[%get3A_356, %get3A_357] {strides = array<i32>} : memref<64x128xf32, #tpu.memory_space<vmem>>, vector<16xf32>,
          %mul3A_359 = arith.mulf %bitcast3A_348, %get3A_358 : vector<16xf32>
          %swap3A_360 = arith.index_cast %add3A_262 : i32 to index
          %swap3A_361 = arith.constant 112 : index
          %swap3A_362 = tpu.vector_load %arg15[%swap3A_360, %swap3A_361] {strides = array<i32>} : memref<64x128xf32, #tpu.memory_space<vmem>>, vector<16xf32>,
          tpu.vector_store %arg15[%swap3A_360, %swap3A_361], %mul3A_359 {strides = array<i32>} : memref<64x128xf32, #tpu.memory_space<vmem>>, vector<16xf32>,
          %scan3A_363 = arith.constant 0 : i32
          scf.yield %scan3A_363 : i32
        }
        %scan3A_156 = arith.constant 32 : i32
        "tpu.region"() ({
          %run_scoped3A = tpu.sem_alloc : memref<!tpu.dma_semaphore, #tpu.memory_space<semaphore_mem>>
          %dma_start3A_157 = arith.constant 0 : i32
          %dma_start3A_158 = arith.constant 0 : i32
          %dma_start3A_159 = tpu.memref_slice %arg16[%dma_start3A_157, %dma_start3A_158] : memref<10000x128xf32, #tpu.memory_space<vmem_shared>> -> memref<10000x128xf32, #tpu.memory_space<vmem_shared>>
          tpu.enqueue_indirect_dma source(%arg15 : memref<64x128xf32, #tpu.memory_space<vmem>>) target(%dma_start3A_159 : memref<10000x128xf32, #tpu.memory_space<vmem_shared>>) offsets(%arg10 : memref<64xi32, #tpu.memory_space<vmem>>) semaphore(%run_scoped3A : memref<!tpu.dma_semaphore, #tpu.memory_space<semaphore_mem>>) {add = true}
          %dma_wait3A_160 = arith.constant 0 : i32
          %dma_wait3A_161 = arith.constant 0 : i32
          %dma_wait3A_162 = tpu.memref_slice %arg16[%dma_wait3A_160, %dma_wait3A_161] : memref<10000x128xf32, #tpu.memory_space<vmem_shared>> -> memref<10000x128xf32, #tpu.memory_space<vmem_shared>>
          tpu.wait_indirect_dma semaphore(%run_scoped3A : memref<!tpu.dma_semaphore, #tpu.memory_space<semaphore_mem>>) src(%arg15 : memref<64x128xf32, #tpu.memory_space<vmem>>) dst(%dma_wait3A_162 : memref<10000x128xf32, #tpu.memory_space<vmem_shared>>)
          tpu.yield
        }) : () -> ()
      } else {
      }
      %scan3A_132 = arith.constant 0 : i32
      scf.yield %scan3A_132 : i32
    }
    %scan3A_91 = arith.constant 40 : i32
    %barrier3A_92 = arith.constant 0 : index
    tpu.barrier barrier_id(%barrier3A_92)
    %while3A_93 = arith.constant 0 : i32
    %while3A_94 = arith.constant 0 : i32
    %while3A_95 = arith.subi %select_n3A, %while3A_93 : i32
    %while3A_96 = arith.addi %while3A_93, %while3A_95 : i32
    %while3A_97 = arith.constant 1 : i32
    %while3A_98 = arith.divsi %while3A_95, %while3A_97 : i32
    %while3A_99 = arith.muli %while3A_98, %while3A_97 : i32
    %while3A_100 = arith.addi %while3A_93, %while3A_99 : i32
    %while3A_101 = arith.constant 1 : i32
    %while3A_102 = scf.for %while3A_105 = %while3A_93 to %while3A_100 step %while3A_101 iter_args(%while3A_106 = %while3A_94) -> (i32)  : i32 {
      %mul3A_107 = arith.constant 16 : i32
      %mul3A_108 = arith.muli %while3A_105, %mul3A_107 : i32
      %add3A_109 = arith.addi %arg1, %mul3A_108 : i32
      %mul3A_110 = arith.constant 40 : i32
      %mul3A_111 = arith.muli %add3A_109, %mul3A_110 : i32
      "tpu.region"() ({
        %run_scoped3A = tpu.sem_alloc : memref<!tpu.dma_semaphore, #tpu.memory_space<semaphore_mem>>
        %dma_start3A_113 = arith.constant 0 : i32
        %dma_start3A_114 = tpu.memref_slice %arg6[%arg0, %mul3A_111, %dma_start3A_113] : memref<2x10000x128xf32, #tpu.memory_space<hbm>> -> memref<1x40x128xf32, #tpu.memory_space<hbm>>
        %dma_start3A_115 = tpu.memref_squeeze %dma_start3A_114 : memref<1x40x128xf32, #tpu.memory_space<hbm>> -> memref<40x128xf32, #tpu.memory_space<hbm>>
        %dma_start3A_116 = arith.constant 0 : i32
        %dma_start3A_117 = tpu.memref_slice %arg16[%mul3A_111, %dma_start3A_116] : memref<10000x128xf32, #tpu.memory_space<vmem_shared>> -> memref<40x128xf32, #tpu.memory_space<vmem_shared>>
        tpu.enqueue_dma source(%dma_start3A_117 : memref<40x128xf32, #tpu.memory_space<vmem_shared>>) target(%dma_start3A_115 : memref<40x128xf32, #tpu.memory_space<hbm>>) target_semaphore(%run_scoped3A : memref<!tpu.dma_semaphore, #tpu.memory_space<semaphore_mem>>)
        %dma_wait3A_118 = arith.constant 0 : i32
        %dma_wait3A_119 = tpu.memref_slice %arg6[%arg0, %mul3A_111, %dma_wait3A_118] : memref<2x10000x128xf32, #tpu.memory_space<hbm>> -> memref<1x40x128xf32, #tpu.memory_space<hbm>>
        %dma_wait3A_120 = tpu.memref_squeeze %dma_wait3A_119 : memref<1x40x128xf32, #tpu.memory_space<hbm>> -> memref<40x128xf32, #tpu.memory_space<hbm>>
        %dma_wait3A_121 = arith.constant 0 : i32
        %dma_wait3A_122 = tpu.memref_slice %arg16[%mul3A_111, %dma_wait3A_121] : memref<10000x128xf32, #tpu.memory_space<vmem_shared>> -> memref<40x128xf32, #tpu.memory_space<vmem_shared>>
        tpu.wait_dma2 semaphore(%run_scoped3A : memref<!tpu.dma_semaphore, #tpu.memory_space<semaphore_mem>>) src(%dma_wait3A_122 : memref<40x128xf32, #tpu.memory_space<vmem_shared>>) dst(%dma_wait3A_120 : memref<40x128xf32, #tpu.memory_space<hbm>>)
        tpu.yield
      }) : () -> ()
      %while3A_112 = arith.constant 0 : i32
      scf.yield %while3A_112 : i32
    }
    %while3A_103 = arith.constant 1 : i32
    %while3A_104 = scf.for %while3A_105 = %while3A_100 to %while3A_96 step %while3A_103 iter_args(%while3A_106 = %while3A_102) -> (i32)  : i32 {
      %mul3A_107 = arith.constant 16 : i32
      %mul3A_108 = arith.muli %while3A_105, %mul3A_107 : i32
      %add3A_109 = arith.addi %arg1, %mul3A_108 : i32
      %mul3A_110 = arith.constant 40 : i32
      %mul3A_111 = arith.muli %add3A_109, %mul3A_110 : i32
      "tpu.region"() ({
        %run_scoped3A = tpu.sem_alloc : memref<!tpu.dma_semaphore, #tpu.memory_space<semaphore_mem>>
        %dma_start3A_113 = arith.constant 0 : i32
        %dma_start3A_114 = tpu.memref_slice %arg6[%arg0, %mul3A_111, %dma_start3A_113] : memref<2x10000x128xf32, #tpu.memory_space<hbm>> -> memref<1x40x128xf32, #tpu.memory_space<hbm>>
        %dma_start3A_115 = tpu.memref_squeeze %dma_start3A_114 : memref<1x40x128xf32, #tpu.memory_space<hbm>> -> memref<40x128xf32, #tpu.memory_space<hbm>>
        %dma_start3A_116 = arith.constant 0 : i32
        %dma_start3A_117 = tpu.memref_slice %arg16[%mul3A_111, %dma_start3A_116] : memref<10000x128xf32, #tpu.memory_space<vmem_shared>> -> memref<40x128xf32, #tpu.memory_space<vmem_shared>>
        tpu.enqueue_dma source(%dma_start3A_117 : memref<40x128xf32, #tpu.memory_space<vmem_shared>>) target(%dma_start3A_115 : memref<40x128xf32, #tpu.memory_space<hbm>>) target_semaphore(%run_scoped3A : memref<!tpu.dma_semaphore, #tpu.memory_space<semaphore_mem>>)
        %dma_wait3A_118 = arith.constant 0 : i32
        %dma_wait3A_119 = tpu.memref_slice %arg6[%arg0, %mul3A_111, %dma_wait3A_118] : memref<2x10000x128xf32, #tpu.memory_space<hbm>> -> memref<1x40x128xf32, #tpu.memory_space<hbm>>
        %dma_wait3A_120 = tpu.memref_squeeze %dma_wait3A_119 : memref<1x40x128xf32, #tpu.memory_space<hbm>> -> memref<40x128xf32, #tpu.memory_space<hbm>>
        %dma_wait3A_121 = arith.constant 0 : i32
        %dma_wait3A_122 = tpu.memref_slice %arg16[%mul3A_111, %dma_wait3A_121] : memref<10000x128xf32, #tpu.memory_space<vmem_shared>> -> memref<40x128xf32, #tpu.memory_space<vmem_shared>>
        tpu.wait_dma2 semaphore(%run_scoped3A : memref<!tpu.dma_semaphore, #tpu.memory_space<semaphore_mem>>) src(%dma_wait3A_122 : memref<40x128xf32, #tpu.memory_space<vmem_shared>>) dst(%dma_wait3A_120 : memref<40x128xf32, #tpu.memory_space<hbm>>)
        tpu.yield
      }) : () -> ()
      %while3A_112 = arith.constant 0 : i32
      scf.yield %while3A_112 : i32
    }
    return
  }
}

module attributes {stable_mosaic.version = 14 : i64} {
  func.func @_node_body(%arg0: i32, %arg1: memref<2000x128xf32, #tpu.memory_space<vmem>>, %arg2: memref<2000x4xf32, #tpu.memory_space<vmem>>, %arg3: memref<4x128x128xf32, #tpu.memory_space<vmem>>, %arg4: memref<128x128xf32, #tpu.memory_space<vmem>>, %arg5: memref<2000x128xf32, #tpu.memory_space<vmem>>, %arg6: memref<2000x128xf32, #tpu.memory_space<vmem>>) attributes {dimension_semantics = [#tpu.dimension_semantics<arbitrary>], iteration_bounds = array<i64: 5>, scalar_prefetch = 0 : i64, scratch_operands = 0 : i64, tpu.core_type = #tpu.core_type<tc>, window_params = [{transform_indices = @transform_0, window_bounds = array<i64: 2000, 128>}, {transform_indices = @transform_1, window_bounds = array<i64: 2000, 4>}, {pipeline_mode = #tpu.pipeline_mode<synchronous>, transform_indices = @transform_2, window_bounds = array<i64: 4, 128, 128>}, {pipeline_mode = #tpu.pipeline_mode<synchronous>, transform_indices = @transform_3, window_bounds = array<i64: 128, 128>}, {transform_indices = @transform_4, window_bounds = array<i64: 2000, 128>}, {transform_indices = @transform_5, window_bounds = array<i64: 2000, 128>}]} {
    %get3A = arith.constant 0 : index
    %get3A_0 = arith.constant 0 : index
    %get3A_1 = vector.load %arg1[%get3A, %get3A_0] : memref<2000x128xf32, #tpu.memory_space<vmem>>, vector<2000x128xf32>
    %get3A_2 = arith.constant 0 : index
    %get3A_3 = arith.constant 0 : index
    %get3A_4 = vector.load %arg2[%get3A_2, %get3A_3] : memref<2000x4xf32, #tpu.memory_space<vmem>>, vector<2000x4xf32>
    %get3A_5 = arith.constant 0 : index
    %get3A_6 = arith.constant 0 : index
    %get3A_7 = vector.load %arg4[%get3A_5, %get3A_6] : memref<128x128xf32, #tpu.memory_space<vmem>>, vector<128x128xf32>
    %dot_general3A = arith.constant dense<0.000000e+00> : vector<2000x128xf32>
    %dot_general3A_8 = tpu.matmul %get3A_1, %get3A_7, %dot_general3A {dimension_numbers = #tpu.dot_dimension_numbers<[1], [0], [0], [1], [0, 0, 1, 1], [], []>, transpose_lhs_hint = false} : vector<2000x128xf32>, vector<128x128xf32>, vector<2000x128xf32> -> vector<2000x128xf32>
    %swap3A = arith.constant 0 : index
    %swap3A_9 = arith.constant 0 : index
    %swap3A_10 = vector.load %arg6[%swap3A, %swap3A_9] : memref<2000x128xf32, #tpu.memory_space<vmem>>, vector<2000x128xf32>
    tpu.vector_store %arg6[%swap3A, %swap3A_9], %dot_general3A_8 {strides = array<i32>} : memref<2000x128xf32, #tpu.memory_space<vmem>>, vector<2000x128xf32>,
    %slice3A = vector.extract_strided_slice %get3A_4 {offsets = [0, 0], sizes = [2000, 1], strides = [1, 1]} : vector<2000x4xf32> to vector<2000x1xf32>
    %mul3A = vector.broadcast %slice3A : vector<2000x1xf32> to vector<2000x128xf32>
    %mul3A_11 = arith.mulf %get3A_1, %mul3A : vector<2000x128xf32>
    %get3A_12 = arith.constant 0 : index
    %get3A_13 = arith.constant 0 : index
    %get3A_14 = arith.constant 0 : index
    %get3A_15 = vector.load %arg3[%get3A_12, %get3A_13, %get3A_14] : memref<4x128x128xf32, #tpu.memory_space<vmem>>, vector<1x128x128xf32>
    %get3A_16 = vector.shape_cast %get3A_15 : vector<1x128x128xf32> to vector<128x128xf32>
    %dot_general3A_17 = arith.constant dense<0.000000e+00> : vector<2000x128xf32>
    %dot_general3A_18 = tpu.matmul %mul3A_11, %get3A_16, %dot_general3A_17 {dimension_numbers = #tpu.dot_dimension_numbers<[1], [0], [0], [1], [0, 0, 1, 1], [], []>, transpose_lhs_hint = false} : vector<2000x128xf32>, vector<128x128xf32>, vector<2000x128xf32> -> vector<2000x128xf32>
    %slice3A_19 = vector.extract_strided_slice %get3A_4 {offsets = [0, 1], sizes = [2000, 1], strides = [1, 1]} : vector<2000x4xf32> to vector<2000x1xf32>
    %mul3A_20 = vector.broadcast %slice3A_19 : vector<2000x1xf32> to vector<2000x128xf32>
    %mul3A_21 = arith.mulf %get3A_1, %mul3A_20 : vector<2000x128xf32>
    %get3A_22 = arith.constant 1 : index
    %get3A_23 = arith.constant 0 : index
    %get3A_24 = arith.constant 0 : index
    %get3A_25 = vector.load %arg3[%get3A_22, %get3A_23, %get3A_24] : memref<4x128x128xf32, #tpu.memory_space<vmem>>, vector<1x128x128xf32>
    %get3A_26 = vector.shape_cast %get3A_25 : vector<1x128x128xf32> to vector<128x128xf32>
    %dot_general3A_27 = arith.constant dense<0.000000e+00> : vector<2000x128xf32>
    %dot_general3A_28 = tpu.matmul %mul3A_21, %get3A_26, %dot_general3A_27 {dimension_numbers = #tpu.dot_dimension_numbers<[1], [0], [0], [1], [0, 0, 1, 1], [], []>, transpose_lhs_hint = false} : vector<2000x128xf32>, vector<128x128xf32>, vector<2000x128xf32> -> vector<2000x128xf32>
    %add3A = arith.addf %dot_general3A_18, %dot_general3A_28 : vector<2000x128xf32>
    %slice3A_29 = vector.extract_strided_slice %get3A_4 {offsets = [0, 2], sizes = [2000, 1], strides = [1, 1]} : vector<2000x4xf32> to vector<2000x1xf32>
    %mul3A_30 = vector.broadcast %slice3A_29 : vector<2000x1xf32> to vector<2000x128xf32>
    %mul3A_31 = arith.mulf %get3A_1, %mul3A_30 : vector<2000x128xf32>
    %get3A_32 = arith.constant 2 : index
    %get3A_33 = arith.constant 0 : index
    %get3A_34 = arith.constant 0 : index
    %get3A_35 = vector.load %arg3[%get3A_32, %get3A_33, %get3A_34] : memref<4x128x128xf32, #tpu.memory_space<vmem>>, vector<1x128x128xf32>
    %get3A_36 = vector.shape_cast %get3A_35 : vector<1x128x128xf32> to vector<128x128xf32>
    %dot_general3A_37 = arith.constant dense<0.000000e+00> : vector<2000x128xf32>
    %dot_general3A_38 = tpu.matmul %mul3A_31, %get3A_36, %dot_general3A_37 {dimension_numbers = #tpu.dot_dimension_numbers<[1], [0], [0], [1], [0, 0, 1, 1], [], []>, transpose_lhs_hint = false} : vector<2000x128xf32>, vector<128x128xf32>, vector<2000x128xf32> -> vector<2000x128xf32>
    %add3A_39 = arith.addf %add3A, %dot_general3A_38 : vector<2000x128xf32>
    %slice3A_40 = vector.extract_strided_slice %get3A_4 {offsets = [0, 3], sizes = [2000, 1], strides = [1, 1]} : vector<2000x4xf32> to vector<2000x1xf32>
    %mul3A_41 = vector.broadcast %slice3A_40 : vector<2000x1xf32> to vector<2000x128xf32>
    %mul3A_42 = arith.mulf %get3A_1, %mul3A_41 : vector<2000x128xf32>
    %get3A_43 = arith.constant 3 : index
    %get3A_44 = arith.constant 0 : index
    %get3A_45 = arith.constant 0 : index
    %get3A_46 = vector.load %arg3[%get3A_43, %get3A_44, %get3A_45] : memref<4x128x128xf32, #tpu.memory_space<vmem>>, vector<1x128x128xf32>
    %get3A_47 = vector.shape_cast %get3A_46 : vector<1x128x128xf32> to vector<128x128xf32>
    %dot_general3A_48 = arith.constant dense<0.000000e+00> : vector<2000x128xf32>
    %dot_general3A_49 = tpu.matmul %mul3A_42, %get3A_47, %dot_general3A_48 {dimension_numbers = #tpu.dot_dimension_numbers<[1], [0], [0], [1], [0, 0, 1, 1], [], []>, transpose_lhs_hint = false} : vector<2000x128xf32>, vector<128x128xf32>, vector<2000x128xf32> -> vector<2000x128xf32>
    %add3A_50 = arith.addf %add3A_39, %dot_general3A_49 : vector<2000x128xf32>
    %swap3A_51 = arith.constant 0 : index
    %swap3A_52 = arith.constant 0 : index
    %swap3A_53 = vector.load %arg5[%swap3A_51, %swap3A_52] : memref<2000x128xf32, #tpu.memory_space<vmem>>, vector<2000x128xf32>
    tpu.vector_store %arg5[%swap3A_51, %swap3A_52], %add3A_50 {strides = array<i32>} : memref<2000x128xf32, #tpu.memory_space<vmem>>, vector<2000x128xf32>,
    return
  }
  func.func @transform_0(%arg0: i32) -> (i32, i32) {
    %c0_i32 = arith.constant 0 : i32
    %c0_i32_0 = arith.constant 0 : i32
    return %arg0, %c0_i32 : i32, i32
  }
  func.func @transform_1(%arg0: i32) -> (i32, i32) {
    %c0_i32 = arith.constant 0 : i32
    %c0_i32_0 = arith.constant 0 : i32
    return %arg0, %c0_i32 : i32, i32
  }
  func.func @transform_2(%arg0: i32) -> (i32, i32, i32) {
    %c0_i32 = arith.constant 0 : i32
    %c0_i32_0 = arith.constant 0 : i32
    %c0_i32_1 = arith.constant 0 : i32
    %c0_i32_2 = arith.constant 0 : i32
    return %c0_i32, %c0_i32_0, %c0_i32_1 : i32, i32, i32
  }
  func.func @transform_3(%arg0: i32) -> (i32, i32) {
    %c0_i32 = arith.constant 0 : i32
    %c0_i32_0 = arith.constant 0 : i32
    %c0_i32_1 = arith.constant 0 : i32
    return %c0_i32, %c0_i32_0 : i32, i32
  }
  func.func @transform_4(%arg0: i32) -> (i32, i32) {
    %c0_i32 = arith.constant 0 : i32
    %c0_i32_0 = arith.constant 0 : i32
    return %arg0, %c0_i32 : i32, i32
  }
  func.func @transform_5(%arg0: i32) -> (i32, i32) {
    %c0_i32 = arith.constant 0 : i32
    %c0_i32_0 = arith.constant 0 : i32
    return %arg0, %c0_i32 : i32, i32
  }
}

module attributes {stable_mosaic.version = 14 : i64} {
  func.func @_edge_body(%arg0: i32, %arg1: memref<8x6400xf32, #tpu.memory_space<vmem>>, %arg2: memref<4x6400xf32, #tpu.memory_space<vmem>>, %arg3: memref<8x64xf32, #tpu.memory_space<vmem>>, %arg4: memref<64x64xf32, #tpu.memory_space<vmem>>, %arg5: memref<64x64xf32, #tpu.memory_space<vmem>>, %arg6: memref<256x128xbf16, #tpu.memory_space<vmem>>, %arg7: memref<6400x64xi32, #tpu.memory_space<vmem>>) attributes {dimension_semantics = [#tpu.dimension_semantics<arbitrary>], iteration_bounds = array<i64: 25>, scalar_prefetch = 0 : i64, scratch_operands = 0 : i64, tpu.core_type = #tpu.core_type<tc>, window_params = [{transform_indices = @transform_0, window_bounds = array<i64: 8, 6400>}, {transform_indices = @transform_1, window_bounds = array<i64: 4, 6400>}, {pipeline_mode = #tpu.pipeline_mode<synchronous>, transform_indices = @transform_2, window_bounds = array<i64: 8, 64>}, {pipeline_mode = #tpu.pipeline_mode<synchronous>, transform_indices = @transform_3, window_bounds = array<i64: 64, 64>}, {pipeline_mode = #tpu.pipeline_mode<synchronous>, transform_indices = @transform_4, window_bounds = array<i64: 64, 64>}, {pipeline_mode = #tpu.pipeline_mode<synchronous>, transform_indices = @transform_5, window_bounds = array<i64: 256, 128>}, {transform_indices = @transform_6, window_bounds = array<i64: 6400, 64>}]} {
    %get3A = arith.constant 0 : index
    %get3A_0 = arith.constant 0 : index
    %get3A_1 = vector.load %arg3[%get3A, %get3A_0] : memref<8x64xf32, #tpu.memory_space<vmem>>, vector<8x64xf32>
    %get3A_2 = arith.constant 0 : index
    %get3A_3 = arith.constant 0 : index
    %get3A_4 = vector.load %arg1[%get3A_2, %get3A_3] : memref<8x6400xf32, #tpu.memory_space<vmem>>, vector<8x6400xf32>
    %dot_general3A = arith.constant dense<0.000000e+00> : vector<64x6400xf32>
    %dot_general3A_5 = tpu.matmul %get3A_1, %get3A_4, %dot_general3A {dimension_numbers = #tpu.dot_dimension_numbers<[0], [0], [1], [1], [0, 1, 1, 1], [], []>, transpose_lhs_hint = false} : vector<8x64xf32>, vector<8x6400xf32>, vector<64x6400xf32> -> vector<64x6400xf32>
    %logistic3A = arith.negf %dot_general3A_5 : vector<64x6400xf32>
    %logistic3A_6 = math.exp %logistic3A : vector<64x6400xf32>
    %logistic3A_7 = arith.constant 1.000000e+00 : f32
    %logistic3A_8 = vector.broadcast %logistic3A_7 : f32 to vector<64x6400xf32>
    %logistic3A_9 = arith.addf %logistic3A_8, %logistic3A_6 : vector<64x6400xf32>
    %logistic3A_10 = arith.divf %logistic3A_8, %logistic3A_9 : vector<64x6400xf32>
    %mul3A = arith.mulf %dot_general3A_5, %logistic3A_10 : vector<64x6400xf32>
    %get3A_11 = arith.constant 0 : index
    %get3A_12 = arith.constant 0 : index
    %get3A_13 = vector.load %arg4[%get3A_11, %get3A_12] : memref<64x64xf32, #tpu.memory_space<vmem>>, vector<64x64xf32>
    %dot_general3A_14 = arith.constant dense<0.000000e+00> : vector<64x6400xf32>
    %dot_general3A_15 = tpu.matmul %get3A_13, %mul3A, %dot_general3A_14 {dimension_numbers = #tpu.dot_dimension_numbers<[0], [0], [1], [1], [0, 1, 1, 1], [], []>, transpose_lhs_hint = false} : vector<64x64xf32>, vector<64x6400xf32>, vector<64x6400xf32> -> vector<64x6400xf32>
    %logistic3A_16 = arith.negf %dot_general3A_15 : vector<64x6400xf32>
    %logistic3A_17 = math.exp %logistic3A_16 : vector<64x6400xf32>
    %logistic3A_18 = arith.constant 1.000000e+00 : f32
    %logistic3A_19 = vector.broadcast %logistic3A_18 : f32 to vector<64x6400xf32>
    %logistic3A_20 = arith.addf %logistic3A_19, %logistic3A_17 : vector<64x6400xf32>
    %logistic3A_21 = arith.divf %logistic3A_19, %logistic3A_20 : vector<64x6400xf32>
    %mul3A_22 = arith.mulf %dot_general3A_15, %logistic3A_21 : vector<64x6400xf32>
    %get3A_23 = arith.constant 0 : index
    %get3A_24 = arith.constant 0 : index
    %get3A_25 = vector.load %arg5[%get3A_23, %get3A_24] : memref<64x64xf32, #tpu.memory_space<vmem>>, vector<64x64xf32>
    %dot_general3A_26 = arith.constant dense<0.000000e+00> : vector<64x6400xf32>
    %dot_general3A_27 = tpu.matmul %get3A_25, %mul3A_22, %dot_general3A_26 {dimension_numbers = #tpu.dot_dimension_numbers<[0], [0], [1], [1], [0, 1, 1, 1], [], []>, transpose_lhs_hint = false} : vector<64x64xf32>, vector<64x6400xf32>, vector<64x6400xf32> -> vector<64x6400xf32>
    %logistic3A_28 = arith.negf %dot_general3A_27 : vector<64x6400xf32>
    %logistic3A_29 = math.exp %logistic3A_28 : vector<64x6400xf32>
    %logistic3A_30 = arith.constant 1.000000e+00 : f32
    %logistic3A_31 = vector.broadcast %logistic3A_30 : f32 to vector<64x6400xf32>
    %logistic3A_32 = arith.addf %logistic3A_31, %logistic3A_29 : vector<64x6400xf32>
    %logistic3A_33 = arith.divf %logistic3A_31, %logistic3A_32 : vector<64x6400xf32>
    %mul3A_34 = arith.mulf %dot_general3A_27, %logistic3A_33 : vector<64x6400xf32>
    %get3A_35 = arith.constant 0 : index
    %get3A_36 = arith.constant 0 : index
    %get3A_37 = vector.load %arg2[%get3A_35, %get3A_36] : memref<4x6400xf32, #tpu.memory_space<vmem>>, vector<4x6400xf32>
    %slice3A = vector.extract_strided_slice %get3A_37 {offsets = [0, 0], sizes = [1, 6400], strides = [1, 1]} : vector<4x6400xf32> to vector<1x6400xf32>
    %mul3A_38 = vector.broadcast %slice3A : vector<1x6400xf32> to vector<64x6400xf32>
    %mul3A_39 = arith.mulf %mul3A_34, %mul3A_38 : vector<64x6400xf32>
    %slice3A_40 = vector.extract_strided_slice %get3A_37 {offsets = [1, 0], sizes = [1, 6400], strides = [1, 1]} : vector<4x6400xf32> to vector<1x6400xf32>
    %mul3A_41 = vector.broadcast %slice3A_40 : vector<1x6400xf32> to vector<64x6400xf32>
    %mul3A_42 = arith.mulf %mul3A_34, %mul3A_41 : vector<64x6400xf32>
    %slice3A_43 = vector.extract_strided_slice %get3A_37 {offsets = [2, 0], sizes = [1, 6400], strides = [1, 1]} : vector<4x6400xf32> to vector<1x6400xf32>
    %mul3A_44 = vector.broadcast %slice3A_43 : vector<1x6400xf32> to vector<64x6400xf32>
    %mul3A_45 = arith.mulf %mul3A_34, %mul3A_44 : vector<64x6400xf32>
    %slice3A_46 = vector.extract_strided_slice %get3A_37 {offsets = [3, 0], sizes = [1, 6400], strides = [1, 1]} : vector<4x6400xf32> to vector<1x6400xf32>
    %mul3A_47 = vector.broadcast %slice3A_46 : vector<1x6400xf32> to vector<64x6400xf32>
    %mul3A_48 = arith.mulf %mul3A_34, %mul3A_47 : vector<64x6400xf32>
    %concatenate3A = tpu.concatenate %mul3A_39, %mul3A_42, %mul3A_45, %mul3A_48 in 0 : vector<64x6400xf32>, vector<64x6400xf32>, vector<64x6400xf32>, vector<64x6400xf32> -> vector<256x6400xf32>
    %convert_element_type3A = arith.truncf %concatenate3A : vector<256x6400xf32> to vector<256x6400xbf16>
    %get3A_49 = arith.constant 0 : index
    %get3A_50 = arith.constant 0 : index
    %get3A_51 = vector.load %arg6[%get3A_49, %get3A_50] : memref<256x128xbf16, #tpu.memory_space<vmem>>, vector<256x128xbf16>
    %dot_general3A_52 = arith.constant dense<0.000000e+00> : vector<6400x128xf32>
    %dot_general3A_53 = tpu.matmul %convert_element_type3A, %get3A_51, %dot_general3A_52 {dimension_numbers = #tpu.dot_dimension_numbers<[0], [0], [1], [1], [0, 1, 1, 1], [], []>, transpose_lhs_hint = false} : vector<256x6400xbf16>, vector<256x128xbf16>, vector<6400x128xf32> -> vector<6400x128xf32>
    %slice3A_54 = vector.extract_strided_slice %dot_general3A_53 {offsets = [0, 0], sizes = [6400, 64], strides = [1, 1]} : vector<6400x128xf32> to vector<6400x64xf32>
    %convert_element_type3A_55 = arith.truncf %slice3A_54 : vector<6400x64xf32> to vector<6400x64xbf16>
    %bitcast_convert_type3A = tpu.bitcast %convert_element_type3A_55 : vector<6400x64xbf16> -> vector<6400x64xi16>
    %convert_element_type3A_56 = arith.extui %bitcast_convert_type3A : vector<6400x64xi16> to vector<6400x64xi32>
    %slice3A_57 = vector.extract_strided_slice %dot_general3A_53 {offsets = [0, 64], sizes = [6400, 64], strides = [1, 1]} : vector<6400x128xf32> to vector<6400x64xf32>
    %convert_element_type3A_58 = arith.truncf %slice3A_57 : vector<6400x64xf32> to vector<6400x64xbf16>
    %bitcast_convert_type3A_59 = tpu.bitcast %convert_element_type3A_58 : vector<6400x64xbf16> -> vector<6400x64xi16>
    %convert_element_type3A_60 = arith.extui %bitcast_convert_type3A_59 : vector<6400x64xi16> to vector<6400x64xi32>
    %shift_left3A = arith.constant 16 : i32
    %shift_left3A_61 = vector.broadcast %shift_left3A : i32 to vector<6400x64xi32>
    %shift_left3A_62 = arith.shli %convert_element_type3A_60, %shift_left3A_61 : vector<6400x64xi32>
    %or3A = arith.ori %convert_element_type3A_56, %shift_left3A_62 : vector<6400x64xi32>
    %swap3A = arith.constant 0 : index
    %swap3A_63 = arith.constant 0 : index
    %swap3A_64 = vector.load %arg7[%swap3A, %swap3A_63] : memref<6400x64xi32, #tpu.memory_space<vmem>>, vector<6400x64xi32>
    tpu.vector_store %arg7[%swap3A, %swap3A_63], %or3A {strides = array<i32>} : memref<6400x64xi32, #tpu.memory_space<vmem>>, vector<6400x64xi32>,
    return
  }
  func.func @transform_0(%arg0: i32) -> (i32, i32) {
    %c0_i32 = arith.constant 0 : i32
    %c0_i32_0 = arith.constant 0 : i32
    return %c0_i32, %arg0 : i32, i32
  }
  func.func @transform_1(%arg0: i32) -> (i32, i32) {
    %c0_i32 = arith.constant 0 : i32
    %c0_i32_0 = arith.constant 0 : i32
    return %c0_i32, %arg0 : i32, i32
  }
  func.func @transform_2(%arg0: i32) -> (i32, i32) {
    %c0_i32 = arith.constant 0 : i32
    %c0_i32_0 = arith.constant 0 : i32
    %c0_i32_1 = arith.constant 0 : i32
    return %c0_i32, %c0_i32_0 : i32, i32
  }
  func.func @transform_3(%arg0: i32) -> (i32, i32) {
    %c0_i32 = arith.constant 0 : i32
    %c0_i32_0 = arith.constant 0 : i32
    %c0_i32_1 = arith.constant 0 : i32
    return %c0_i32, %c0_i32_0 : i32, i32
  }
  func.func @transform_4(%arg0: i32) -> (i32, i32) {
    %c0_i32 = arith.constant 0 : i32
    %c0_i32_0 = arith.constant 0 : i32
    %c0_i32_1 = arith.constant 0 : i32
    return %c0_i32, %c0_i32_0 : i32, i32
  }
  func.func @transform_5(%arg0: i32) -> (i32, i32) {
    %c0_i32 = arith.constant 0 : i32
    %c0_i32_0 = arith.constant 0 : i32
    %c0_i32_1 = arith.constant 0 : i32
    return %c0_i32, %c0_i32_0 : i32, i32
  }
  func.func @transform_6(%arg0: i32) -> (i32, i32) {
    %c0_i32 = arith.constant 0 : i32
    %c0_i32_0 = arith.constant 0 : i32
    return %arg0, %c0_i32 : i32, i32
  }
}

module attributes {stable_mosaic.version = 14 : i64} {
  func.func @_out_body(%arg0: i32, %arg1: memref<2x2000x128xf32, #tpu.memory_space<vmem>>, %arg2: memref<128x128xf32, #tpu.memory_space<vmem>>, %arg3: memref<2000x128xf32, #tpu.memory_space<vmem>>) attributes {dimension_semantics = [#tpu.dimension_semantics<arbitrary>], iteration_bounds = array<i64: 5>, scalar_prefetch = 0 : i64, scratch_operands = 0 : i64, tpu.core_type = #tpu.core_type<tc>, window_params = [{transform_indices = @transform_0, window_bounds = array<i64: 2, 2000, 128>}, {pipeline_mode = #tpu.pipeline_mode<synchronous>, transform_indices = @transform_1, window_bounds = array<i64: 128, 128>}, {transform_indices = @transform_2, window_bounds = array<i64: 2000, 128>}]} {
    %get3A = arith.constant 0 : index
    %get3A_0 = arith.constant 0 : index
    %get3A_1 = arith.constant 0 : index
    %get3A_2 = vector.load %arg1[%get3A, %get3A_0, %get3A_1] : memref<2x2000x128xf32, #tpu.memory_space<vmem>>, vector<1x2000x128xf32>
    %get3A_3 = vector.shape_cast %get3A_2 : vector<1x2000x128xf32> to vector<2000x128xf32>
    %get3A_4 = arith.constant 1 : index
    %get3A_5 = arith.constant 0 : index
    %get3A_6 = arith.constant 0 : index
    %get3A_7 = vector.load %arg1[%get3A_4, %get3A_5, %get3A_6] : memref<2x2000x128xf32, #tpu.memory_space<vmem>>, vector<1x2000x128xf32>
    %get3A_8 = vector.shape_cast %get3A_7 : vector<1x2000x128xf32> to vector<2000x128xf32>
    %add3A = arith.addf %get3A_3, %get3A_8 : vector<2000x128xf32>
    %get3A_9 = arith.constant 0 : index
    %get3A_10 = arith.constant 0 : index
    %get3A_11 = vector.load %arg2[%get3A_9, %get3A_10] : memref<128x128xf32, #tpu.memory_space<vmem>>, vector<128x128xf32>
    %dot_general3A = arith.constant dense<0.000000e+00> : vector<2000x128xf32>
    %dot_general3A_12 = tpu.matmul %add3A, %get3A_11, %dot_general3A {dimension_numbers = #tpu.dot_dimension_numbers<[1], [0], [0], [1], [0, 0, 1, 1], [], []>, transpose_lhs_hint = false} : vector<2000x128xf32>, vector<128x128xf32>, vector<2000x128xf32> -> vector<2000x128xf32>
    %mul3A = arith.constant 6.250000e-02 : f32
    %mul3A_13 = vector.broadcast %mul3A : f32 to vector<2000x128xf32>
    %mul3A_14 = arith.mulf %dot_general3A_12, %mul3A_13 : vector<2000x128xf32>
    %swap3A = arith.constant 0 : index
    %swap3A_15 = arith.constant 0 : index
    %swap3A_16 = vector.load %arg3[%swap3A, %swap3A_15] : memref<2000x128xf32, #tpu.memory_space<vmem>>, vector<2000x128xf32>
    tpu.vector_store %arg3[%swap3A, %swap3A_15], %mul3A_14 {strides = array<i32>} : memref<2000x128xf32, #tpu.memory_space<vmem>>, vector<2000x128xf32>,
    return
  }
  func.func @transform_0(%arg0: i32) -> (i32, i32, i32) {
    %c0_i32 = arith.constant 0 : i32
    %c0_i32_0 = arith.constant 0 : i32
    %c0_i32_1 = arith.constant 0 : i32
    return %c0_i32, %arg0, %c0_i32_0 : i32, i32, i32
  }
  func.func @transform_1(%arg0: i32) -> (i32, i32) {
    %c0_i32 = arith.constant 0 : i32
    %c0_i32_0 = arith.constant 0 : i32
    %c0_i32_1 = arith.constant 0 : i32
    return %c0_i32, %c0_i32_0 : i32, i32
  }
  func.func @transform_2(%arg0: i32) -> (i32, i32) {
    %c0_i32 = arith.constant 0 : i32
    %c0_i32_0 = arith.constant 0 : i32
    return %arg0, %c0_i32 : i32, i32
  }
}

</mosaic_0001>

<sc_bundles>
// kernel: kernel.6.cloned.1.call-start
scs
__scs_entry_jumppad:
0x0: {  	(pc) =	sbr.rel $0x88, $3  }
0x1: {  	(tag) =	ssettag $0x0;
	lr =	simm.s32 $0x1  }
0x2: {  	[smem:$0x3F94] =	sst lr;
	_ =	strace $0xD0000000  }
0x3: {  	_ = 	snop  }
0x4: {  	_ = 	snop  }
0x5: {  	_ = 	snop  }
0x6: {  	_ = 	snop  }
0x7: {  	_ = 	snop  }
__scs_overlays_trampoline_lowered:
0x8: {  	[smem:$0x3FA3] =	sst s0  }
0x9: {  	[smem:$0x3FA4] =	sst s1  }
0xa: {  	[smem:$0x3FA5] =	sst s2  }
0xb: {  	[smem:$0x3FA6] =	sst s3  }
0xc: {  	[smem:$0x3FA7] =	sst s4  }
0xd: {  	[smem:$0x3FA8] =	sst s5  }
0xe: {  	[smem:$0x3FA9] =	sst s6  }
0xf: {  	[smem:$0x3FAA] =	sst s7  }
0x10: {  	[smem:$0x3FAB] =	sst s8  }
0x11: {  	[smem:$0x3FAC] =	sst s9;
	s0 =	simm.s32 @!p0 $0x0  }
0x12: {  	s1 =	sld [smem:$0x3F92];
	s0 =	simm.s32 @p0 $0x1  }
0x13: {  	[smem:$0x3FAD] =	sst s0;
	s0 =	simm.s32 @!p1 $0x0  }
0x14: {  	s2 =	sld [smem:$0x3F91];
	s0 =	simm.s32 @p1 $0x1  }
0x15: {  	[smem:$0x3FAE] =	sst s0;
	s0 =	simm.s32 @!p2 $0x0  }
0x16: {  	s3 =	sld [smem:$0x3FDB];
	s0 =	simm.s32 @p2 $0x1  }
0x17: {  	s4 =	simm.s32 $0x1BF5;
	[smem:$0x3FB0] =	sst s0  }
0x18: {  	s0 =	sld [smem:$0x3F93];
	_ =	swait.ge [sflag:s4], $0x0  }
0x19: {  	s7 =	sld [smem:$0x3F94]  }
0x1a: {  	s8 =	sadd.s32 $0xFFFFE003, lr  }
0x1b: {  	s9 =	sadd.s32 $0xFFFFFEF7, lr;
	s5 =	simm.s32 $0xFFFFFFFF;
	p2 =	slt.u32 s8, $0xFFFFF086  }
0x1c: {  	p1 =	slt.u32 s9, $0xF7A;
	s5 =	simm.s32 @!p2 $0x0  }
0x1d: {  	s5 =	simm.s32 @p1 $0x1;
	p0 =	seq.s32 s7, s2  }
0x1e: {  	s7 =	smul.u32 @!p0 $0xF7A, s2;
	p2 =	seq.s32 @!p0 s5, $0x0  }
0x1f: {  	s9 =	smul.u32 $0xF7A, s1;
	s8 =	simm.s32 @!p0 $0x1BF5;
	p2 =	por !p2, p0  }
0x20: {  	[sflag:s8] =	ssyncset.s32 @!p0 $0xFFFFF086;
	s6 =	sadd.s32 @!p0 s3, s7;
	s7 =	simm.s32 @!p0 $0x108  }
0x21: {  	s3 =	sadd.s32 s3, s9;
	s6 =	sadd.s32 @!p0 $0x88, s6;
	s7 =	simm.s32 @p2 $0x1082  }
0x22: {  	[simem:s7], [sflag:s8] =	dma.local @!p0 [hbm:s6], $0xF7A  }
0x23: {  	s9 =	sor.u32 $0xD0000000, s2;
	s6 =	simm.s32 $0x108;
	_ =	swait.ge @!p0 [sflag:s8], $0x0  }
0x24: {  	s3 =	sadd.s32 $0x88, s3;
	s6 =	simm.s32 @!p1 $0x1082;
	[sflag:s4] =	ssyncset.s32 $0xFFFFF086  }
0x25: {  	[simem:s6], [sflag:s4] =	dma.local [hbm:s3], $0xF7A  }
0x26: {  	[smem:$0x3F94] =	sst s1;
	(tag) =	ssettag s2;
	_ =	strace s9  }
0x27: {  	s1 =	sld [smem:$0x3FA4]  }
0x28: {  	s2 =	sld [smem:$0x3FA5]  }
0x29: {  	s4 =	sld [smem:$0x3FA7]  }
0x2a: {  	p0 =	seq.s32 s5, $0x0;
	s5 =	sld [smem:$0x3FA8]  }
0x2b: {  	s6 =	sld [smem:$0x3FA9]  }
0x2c: {  	s7 =	sld [smem:$0x3FAA]  }
0x2d: {  	s3 =	simm.s32 $0x108;
	s8 =	sld [smem:$0x3FAB]  }
0x2e: {  	s3 =	simm.s32 @!p0 $0x1082;
	s9 =	sld [smem:$0x3FAC]  }
0x2f: {  	lr =	sadd.s32 s0, s3;
	s0 =	sld [smem:$0x3FA3]  }
0x30: {  	s3 =	sld [smem:$0x3FA6]  }
0x31: {  	[smem:$0x3FAF] =	sst s10  }
0x32: {  	s10 =	sld [smem:$0x3FAD];
	_ =	sdelay $0x3  }
0x33: {  	p0 =	seq.s32 s10, $0x1;
	s10 =	sld [smem:$0x3FAF];
	_ =	sdelay $0x3  }
0x34: {  	[smem:$0x3FAF] =	sst s10  }
0x35: {  	s10 =	sld [smem:$0x3FAE];
	_ =	sdelay $0x3  }
0x36: {  	p1 =	seq.s32 s10, $0x1;
	s10 =	sld [smem:$0x3FAF];
	_ =	sdelay $0x3  }
0x37: {  	[smem:$0x3FAF] =	sst s10  }
0x38: {  	s10 =	sld [smem:$0x3FB0]  }
0x39: {  	_ = 	snop;
	(pc) =	sbr.ind lr, $3  }
0x3a: {  	_ = 	snop  }
0x3b: {  	_ = 	snop  }
0x3c: {  	p2 =	seq.s32 s10, $0x1;
	s10 =	sld [smem:$0x3FAF]  }
0x3d: {  	_ =	shalt  }
0x3e: {  	_ =	shalt  }
0x3f: {  	_ =	shalt  }
0x40: {  	_ =	shalt  }
0x41: {  	_ =	shalt  }
0x42: {  	_ =	shalt  }
0x43: {  	_ =	shalt  }
0x44: {  	_ =	shalt  }
0x45: {  	_ =	shalt  }
0x46: {  	_ =	shalt  }
0x47: {  	_ =	shalt  }
0x48: {  	_ =	shalt  }
0x49: {  	_ =	shalt  }
0x4a: {  	_ =	shalt  }
0x4b: {  	_ =	shalt  }
0x4c: {  	_ =	shalt  }
0x4d: {  	_ =	shalt  }
0x4e: {  	_ =	shalt  }
0x4f: {  	_ =	shalt  }
0x50: {  	_ =	shalt  }
0x51: {  	_ =	shalt  }
0x52: {  	_ =	shalt  }
0x53: {  	_ =	shalt  }
0x54: {  	_ =	shalt  }
0x55: {  	_ =	shalt  }
0x56: {  	_ =	shalt  }
0x57: {  	_ =	shalt  }
0x58: {  	_ =	shalt  }
0x59: {  	_ =	shalt  }
0x5a: {  	_ =	shalt  }
0x5b: {  	_ =	shalt  }
0x5c: {  	_ =	shalt  }
0x5d: {  	_ =	shalt  }
0x5e: {  	_ =	shalt  }
0x5f: {  	_ =	shalt  }
0x60: {  	_ =	shalt  }
0x61: {  	_ =	shalt  }
0x62: {  	_ =	shalt  }
0x63: {  	_ =	shalt  }
0x64: {  	_ =	shalt  }
0x65: {  	_ =	shalt  }
0x66: {  	_ =	shalt  }
0x67: {  	_ =	shalt  }
0x68: {  	_ =	shalt  }
0x69: {  	_ =	shalt  }
0x6a: {  	_ =	shalt  }
0x6b: {  	_ =	shalt  }
0x6c: {  	_ =	shalt  }
0x6d: {  	_ =	shalt  }
0x6e: {  	_ =	shalt  }
0x6f: {  	_ =	shalt  }
0x70: {  	_ =	shalt  }
0x71: {  	_ =	shalt  }
0x72: {  	_ =	shalt  }
0x73: {  	_ =	shalt  }
0x74: {  	_ =	shalt  }
0x75: {  	_ =	shalt  }
0x76: {  	_ =	shalt  }
0x77: {  	_ =	shalt  }
0x78: {  	_ =	shalt  }
0x79: {  	_ =	shalt  }
0x7a: {  	_ =	shalt  }
0x7b: {  	_ =	shalt  }
0x7c: {  	_ =	shalt  }
0x7d: {  	_ =	shalt  }
0x7e: {  	_ =	shalt  }
0x7f: {  	_ =	shalt  }
0x80: {  	_ =	shalt  }
0x81: {  	_ =	shalt  }
0x82: {  	_ =	shalt  }
0x83: {  	_ =	shalt  }
0x84: {  	_ =	shalt  }
0x85: {  	_ =	shalt  }
0x86: {  	_ =	shalt  }
0x87: {  	_ =	shalt  }
.Lfunc_end0:
.L_simem_size_0:
called_computation_lowered:
.L_overlay_start_0:
0x88: {  	s2 =	sld [smem:$0x3FD9]  }
0x89: {  	s3 =	sld [smem:$0x3FFE];
	_ =	sdelay $0x1  }
0x8a: {  	s1 =	srdreg.scid  }
0x8b: {  	s0 =	sand.u32 $0x1, s1  }
0x8c: {  	s14 =	sshll.u32 s0, $0xA;
	s2 =	sadd.s32 s3, s2  }
0x8d: {  	s2 =	sadd.s32 s2, s14  }
0x8e: {  	[smem:$0x3FBB] =	sst s2  }
0x8f: {  	_ = 	snop  }
0x90: {  	s2 =	sld [smem:$0x3FD0];
	_ =	sdelay $0x1  }
0x91: {  	s15 =	sld [smem:$0x3FC5]  }
0x92: {  	s5 =	simm.s32 $0xA;
	s6 =	simm.s32 $0x10;
	s4 =	sld [smem:$0x3FC4]  }
0x93: {  	[smem:s6], [sflag:s5] =	dma.local [hbm:s2], $0x1  }
0x94: {  	_ =	swait.eq [sflag:s5], $0x1  }
0x95: {  	[sflag:s5] =	ssyncset.done $0x0  }
0x96: {  	[sflag:s5] =	ssyncadd.s32 $0xFFFFFFFF  }
0x97: {  	s16 =	sld [smem:$0x10];
	(tm) =	ssettm $0x1  }
0x98: {  	s17 =	sld [smem:$0x3FFB];
	_ =	sdelay $0x3  }
0x99: {  	_ =	strace s17  }
0x9a: {  	s5 =	sld [smem:$0x3FFC];
	_ =	sdelay $0x3  }
0x9b: {  	_ =	strace s5  }
0x9c: {  	s5 =	sld [smem:$0x3FFD];
	_ =	sdelay $0x3  }
0x9d: {  	_ =	strace s5  }
0x9e: {  	_ =	strace $0x8FFFFFFF  }
0x9f: {  	s18 =	sld [smem:$0x3FDB];
	_ =	sdelay $0x1  }
0xa0: {  	s19 =	simm.s32 $_scs_section_size  }
0xa1: {  	s7 =	simm.s32 $_size__tile_overlayer_lowered;
	s8 =	simm.s32 $_tile_overlayer_lowered  }
0xa2: {  	s22 =	simm.s32 $0x1BFF;
	s21 =	sshll.u32 s8, $0x1;
	s5 =	sadd.s32 s19, s18  }
0xa3: {  	s9 =	simm.s32 $0x0;
	s20 =	sshll.u32 s7, $0x1;
	s7 =	sadd.s32 s21, s5  }
0xa4: {  	[timem:s9], [sflag:s22] =	dma.local [hbm:s7], s20  }
0xa5: {  	_ =	swait.ge [sflag:s22], s20  }
0xa6: {  	s6 =	ssub.s32 $0x0, s20;
	[sflag:s22] =	ssyncset.done $0x0  }
0xa7: {  	[sflag:s22] =	ssyncadd.s32 s6;
	_ =	sdelay $0x1  }
0xa8: {  	s23 =	simm.s32 $0x1B8B  }
0xa9: {  	_ =	swait.ge [sflag:s23], $0x1  }
0xaa: {  	[sflag:s23] =	ssyncset.done $0x0  }
0xab: {  	s25 =	simm.s32 $0x1B8E;
	s24 =	sld [smem:$0x3FFE];
	[sflag:s23] =	ssyncadd.s32 $0xFFFFFFFF  }
0xac: {  	s26 =	simm.s32 $execute0_lowered;
	[smem:$0x3FD2] =	sst s25  }
0xad: {  	s7 =	sshll.u32 s26, $0x1;
	_ =	strace $0x80000046;
	[dreg:$0x1] =	wrdreg $0xFFFFFFFF  }
0xae: {  	s28 =	simm.s32 $_size_execute0_lowered;
	s5 =	sadd.s32 s5, s7;
	[dreg:$0x0] =	wrdreg $0x0  }
0xaf: {  	s7 =	sshll.u32 s28, $0x1;
	[dreg:$0x2] =	wrdreg s5  }
0xb0: {  	[dreg:$0x3] =	wrdreg s7  }
0xb1: {  	[dreg:$0x4] =	wrdreg $0xC0  }
0xb2: {  	_ =	task [dreg:s9], $0x5FFFF  }
0xb3: {  	[dreg:$0x1] =	wrdreg $0xFFFFFFFF  }
0xb4: {  	[dreg:$0x0] =	wrdreg $0x60  }
0xb5: {  	[dreg:$0x2] =	wrdreg s16  }
0xb6: {  	[dreg:$0x3] =	wrdreg s24  }
0xb7: {  	[dreg:$0x4] =	wrdreg s15  }
0xb8: {  	[dreg:$0x5] =	wrdreg s4  }
0xb9: {  	[dreg:$0x6] =	wrdreg $0xA2000  }
0xba: {  	[dreg:$0x7] =	wrdreg $0x9  }
0xbb: {  	_ =	task.clear_ibuf [dreg:s9], $0x8FFFF;
	_ =	strace $0x90000046  }
0xbc: {  	s29 =	simm.s32 $0x9;
	_ =	strace $0x80000048  }
0xbd: {  	_ =	swait.ge [sflag:s29], $0x1  }
0xbe: {  	[sflag:s29] =	ssyncadd.s32 $0xFFFFFFFF  }
0xbf: {  	_ =	strace $0x90000048  }
0xc0: {  	_ =	sfence  }
0xc1: {  	s30 =	sld [smem:$0x0];
	_ =	sdelay $0x2  }
0xc2: {  	s31 =	sshll.u32 s1, $0xD;
	s1 =	sshrl.u32 s1, $0x2  }
0xc3: {  	s3 =	sand.u32 $0x4000, s31;
	s1 =	sadd.s32 s1, s30  }
0xc4: {  	s0 =	sor.u32 s3, s0;
	s1 =	sshll.u32 s1, $0x11  }
0xc5: {  	s0 =	sor.u32 s1, s0  }
0xc6: {  	s0 =	sadd.s32 $0x8F2B, s0  }
0xc7: {  	[sflag:s0] =	ssyncadd.remote.s32 $0x1  }
0xc8: {  	_ =	sfence.sel $0xFFFF  }
0xc9: {  	[dreg:$0x0] =	wrdreg $0xFFFFFFFF;
	(pc) =	sbr.abs _section_cstart, $3  }
0xca: {  	[dreg:$0x1] =	wrdreg $0xFFFFFFFF  }
0xcb: {  	_ =	task.clear_ibuf [dreg:s9], $0x2FFFF;
	_ =	strace $0x9FFFFFFF  }
0xcc: {  	(tm) =	ssettm $0x7FFFFFFF  }
0xcd: {  	_ =	shalt  }
tec
execute0_lowered:
.L_overlay_start_1:
0x0: {  	(tag) =	ssettag $0x1  }
0x1: {  	s0 =	rddreg [dreg:$0x0]  }
0x2: {  	s2 =	rddreg [dreg:$0x1]  }
0x3: {  	s1 =	rddreg [dreg:$0x2]  }
0x4: {  	s4 =	rddreg [dreg:$0x3];
	s3 =	srdreg.scid  }
0x5: {  	s5 =	rddreg [dreg:$0x4];
	s13 =	stileid.u32  }
0x6: {  	s6 =	simm.s32 $0x0;
	s17 =	simm.s32 $0x8200;
	s18 =	simm.s32 $0x7  }
0x7: {  	s19 =	simm.s32 $0x100;
	s21 =	simm.s32 $0x1;
	s22 =	simm.s32 $0x40  }
0x8: {  	s28 =	simm.s32 $0x4;
	s29 =	simm.s32 $0x6;
	s30 =	simm.s32 $0x180  }
0x9: {  	s3 =	sand.u32 $0x1, s3;
	s8 =	smul.u32 $0x1400, s13;
	[smem:$0x7FF] =	sst s6  }
0xa: {  	s9 =	sshll.u32 s13, $0x1;
	s10 =	ssub.s32 $0x109, s13;
	s15 =	smul.u32 $0x5000, s13  }
0xb: {  	s7 =	smul.u32 $0x138800, s3;
	s23 =	ssub.s32 $0x2, s3;
	s3 =	sor.u32 s3, s9  }
0xc: {  	_ =	strace $0x80000047;
	s24 =	sshrl.u32 s23, $0x1;
	s11 =	ssub.s32 $0x9E3, s3  }
0xd: {  	s25 =	sshll.u32 s3, $0x3;
	s12 =	sshll.u32 s3, $0xA;
	s13 =	sshll.u32 s3, $0x6  }
0xe: {  	s31 =	sshrl.u32 s15, $0x2;
	s8 =	sadd.s32 s8, s7;
	s7 =	sadd.s32 $0x2600, s2  }
0xf: {  	s14 =	ssub.s32 s23, s24;
	s9 =	sshrl.u32 s11, $0x5;
	s26 =	sadd.s32 s1, s25  }
0x10: {  	s11 =	sadd.s32 s4, s25;
	s15 =	sadd.s32 s31, s5;
	s24 =	simm.s32 $0x3  }
0x11: {  	s25 =	simm.s32 $0x5;
	s8 =	sshrl.u32 s8, $0x3;
	[dreg:$0x6] =	wrdreg s26  }
0x12: {  	s12 =	sadd.s32 s7, s12;
	s14 =	smax.u32 s14, $0x1;
	s2 =	sadd.s32 s8, s2  }
0x13: {  	v0 =	vimm.f32 $0.0e+00;
	s26 =	simm.s32 $0x8;
	s8 =	sshrl.u32 s10, $0x4;
	s16 =	sadd.s32 $0x273600, s2  }
.LBB2_1:
0x14: {  	s2 =	simm.s32 $0x0;
	s3 =	simm.s32 $0x200  }
.LBB2_2:
0x15: {  	p0 =	sne.s32 s3, $0x7E00;
	[tilespmem:s2+$0x8270] =	vst v0  }
0x16: {  	[tilespmem:s2+$0x8200] =	vst v0  }
0x17: {  	[tilespmem:s2+$0x8210] =	vst v0  }
.Ltmp0:
0x18: {  	[tilespmem:s2+$0x8220] =	vst v0;
	(pc) =	sbr.rel @p0 .LBB2_2-.Ltmp0, $4  }
0x19: {  	[tilespmem:s2+$0x8230] =	vst v0  }
0x1a: {  	[tilespmem:s2+$0x8240] =	vst v0  }
0x1b: {  	[tilespmem:s2+$0x8250] =	vst v0  }
0x1c: {  	[tilespmem:s2+$0x8260] =	vst v0;
	s2 =	sshra.s32 s3, $0x2;
	s3 =	sadd.s32 $0x200, s3  }
0x1d: {  	[tilespmem:s2+$0x8270] =	vst v0  }
0x1e: {  	[tilespmem:s2+$0x8200] =	vst v0  }
0x1f: {  	[tilespmem:s2+$0x8210] =	vst v0  }
0x20: {  	[tilespmem:s2+$0x8220] =	vst v0  }
0x21: {  	[tilespmem:s2+$0x8230] =	vst v0  }
0x22: {  	[tilespmem:s2+$0x8240] =	vst v0;
	p0 =	sne.s32 s8, $0x1  }
.Ltmp1:
0x23: {  	[tilespmem:s2+$0x8250] =	vst v0;
	(pc) =	sbr.rel @!p0 .LBB2_5-.Ltmp1, $4  }
0x24: {  	[tilespmem:s2+$0x8260] =	vst v0  }
0x25: {  	[spmem:s15] =	stream.linear.scatter [tilespmem:s17], [sflag:$0x7], $0x1400, $0x38;
	[tilespmem:$0x1DA80] =	vst v63  }
0x26: {  	_ =	swait.ge [sflag:s18], $0x1400  }
0x27: {  	s2 =	sadd.s32 $0xFFFFFFFF, s8;
	s3 =	smov.u32 s15;
	[sflag:s18] =	ssyncset.done $0x0  }
.LBB2_4:
0x28: {  	p1 =	sne.s32 s2, $0x1;
	[sflag:s18] =	ssyncadd.s32 $0xFFFFEC00;
	s3 =	sadd.s32 $0x14000, s3  }
.Ltmp2:
0x29: {  	s2 =	sadd.s32 $0xFFFFFFFF, s2;
	(pc) =	sbr.rel @p1 .LBB2_4-.Ltmp2, $4  }
0x2a: {  	_ = 	snop  }
0x2b: {  	[spmem:s3] =	stream.linear.scatter [tilespmem:s17], [sflag:$0x7], $0x1400, $0x38;
	[tilespmem:$0x1DA80] =	vst v63  }
0x2c: {  	_ =	swait.ge [sflag:s18], $0x1400  }
0x2d: {  	[sflag:s18] =	ssyncset.done $0x0  }
.LBB2_5:
0x2e: {  	[sflag:s18] =	ssyncadd.s32 $0xFFFFEC00  }
0x2f: {  	[bflag:$0x0] =	sbarrier.arrive $0xFFFF  }
0x30: {  	s31 =	simm.s32 $0x0;
	s2 =	rddreg [dreg:$0x6]  }
0x31: {  	[tilespmem:s31], [sflag:$0x1] =	stream.linear.gather [hbm4b:s2+s31], $0x40, $0x38;
	[tilespmem:$0x1DA80] =	vst v63  }
0x32: {  	_ = 	snop  }
0x33: {  	[tilespmem:s19], [sflag:$0x3] =	stream.linear.gather [hbm4b:s11+s31], $0x40, $0x38;
	[tilespmem:$0x1DA80] =	vst v63  }
0x34: {  	s20 =	simm.s32 $0x200  }
0x35: {  	[tilespmem:s20], [sflag:$0x3] =	stream.linear.gather [hbm4b:s12+s31], $0x2000, $0x38;
	[tilespmem:$0x1DA80] =	vst v63  }
.Ltmp3:
0x36: {  	_ = 	snop;
	(pc) =	sbr.rel .LBB2_6-.Ltmp3, $4  }
0x37: {  	_ =	swait.ge [sflag:s21], $0x40  }
0x38: {  	[sflag:s21] =	ssyncset.done $0x0  }
0x39: {  	s23 =	simm.s32 $0x4200;
	[sflag:s21] =	ssyncadd.s32 $0xFFFFFFC0  }
0x3a: {  	[tilespmem:s23], [sflag:$0x5] =	stream.indirect.gather [hbm4b:s0+s22], $0x80, s31, s22, $0xb8;
	[tilespmem:$0x1DA80] =	vst v63  }
.LBB2_14:
0x3b: {  	s31 =	sadd.s32 $0x1, s31  }
0x3c: {  	p1 =	sne.s32 s31, $0x28  }
.Ltmp4:
0x3d: {  	_ = 	snop;
	(pc) =	sbr.rel @!p1 .LBB2_15-.Ltmp4, $1  }
0x3e: {  	_ =	sdelay $0x3  }
.LBB2_6:
0x3f: {  	s2 =	sshllo.u32 s31, $0x1  }
0x40: {  	p1 =	sge.u32 s2, s9  }
0x41: {  	s2 =	sshll.u32 @!p1 s2, $0xB  }
0x42: {  	s2 =	sor.u32 @!p1 s13, s2  }
0x43: {  	s3 =	sshrl.u32 @!p1 s2, $0x3  }
0x44: {  	s23 =	simm.s32 @!p1 $0x0;
	s10 =	simm.s32 @!p1 $0x80;
	s20 =	sadd.s32 @!p1 s1, s3  }
0x45: {  	[tilespmem:s10], [sflag:$0x2] =	stream.linear.gather @!p1 [hbm4b:s20+s23], $0x40, $0x38;
	[tilespmem:$0x1DA80] =	vst v63  }
0x46: {  	s2 =	sshll.u32 @!p1 s2, $0x4;
	s3 =	sadd.s32 @!p1 s4, s3;
	s20 =	simm.s32 @!p1 $0x180  }
0x47: {  	[tilespmem:s20], [sflag:$0x4] =	stream.linear.gather @!p1 [hbm4b:s3+s23], $0x40, $0x38;
	[tilespmem:$0x1DA80] =	vst v63  }
0x48: {  	s2 =	sadd.s32 @!p1 s7, s2;
	s3 =	simm.s32 @!p1 $0x2200  }
0x49: {  	[tilespmem:s3], [sflag:$0x4] =	stream.linear.gather @!p1 [hbm4b:s2+s23], $0x2000, $0x38;
	[tilespmem:$0x1DA80] =	vst v63  }
0x4a: {  	s2 =	sshll.u32 s31, $0x1  }
0x4b: {  	p2 =	sge.u32 s2, s9  }
.Ltmp5:
0x4c: {  	s3 =	simm.s32 @!p1 $0x2;
	(pc) =	sbr.rel @p2 .LBB2_10-.Ltmp5, $4  }
0x4d: {  	_ =	swait.ge @!p1 [sflag:s3], $0x40  }
0x4e: {  	[sflag:s3] =	ssyncset.done @!p1 $0x0  }
0x4f: {  	s20 =	simm.s32 @!p1 $0x6200;
	[sflag:s3] =	ssyncadd.s32 @!p1 $0xFFFFFFC0;
	s3 =	simm.s32 @!p1 $0x40  }
0x50: {  	[tilespmem:s20], [sflag:$0x6] =	stream.indirect.gather @!p1 [hbm4b:s0+s3], $0x80, s10, s3, $0xb8;
	[tilespmem:$0x1DA80] =	vst v63  }
0x51: {  	_ =	swait.ge [sflag:s24], $0x40  }
0x52: {  	[sflag:s24] =	ssyncset.done $0x0  }
0x53: {  	[sflag:s24] =	ssyncadd.s32 $0xFFFFFFC0  }
0x54: {  	_ =	swait.ge [sflag:s24], $0x2000  }
0x55: {  	[sflag:s24] =	ssyncset.done $0x0  }
0x56: {  	[sflag:s24] =	ssyncadd.s32 $0xFFFFE000  }
0x57: {  	_ =	swait.ge [sflag:s25], $0x2000  }
0x58: {  	[sflag:s25] =	ssyncset.done $0x0  }
0x59: {  	s20 =	simm.s32 $0x0;
	[sflag:s25] =	ssyncadd.s32 $0xFFFFE000  }
0x5a: {  	v1 =	vld [tilespmem:s20+$0x2B0]  }
0x5b: {  	v2 =	vld [tilespmem:s20+$0x42F0];
	_ =	sdelay $0x2  }
0x5c: {  	v3 =	vld [tilespmem:s20+$0x200]  }
0x5d: {  	v4 =	vld [tilespmem:s20+$0x210];
	v6 =	vand.u32 $0xFFFF0000, v1  }
0x5e: {  	v5 =	vld [tilespmem:s20+$0x220];
	v2 =	vmul.f32 v6, v2  }
0x5f: {  	v8 =	vld [tilespmem:s20+$0x230]  }
0x60: {  	[tilespmem:s20+$0x82F0] =	vst v2;
	v2 =	vld [tilespmem:s20+$0x4200]  }
0x61: {  	v6 =	vld [tilespmem:s20+$0x4210]  }
0x62: {  	v9 =	vld [tilespmem:s20+$0x280]  }
0x63: {  	v7 =	vld [tilespmem:s20+$0x4220]  }
0x64: {  	v12 =	vld [tilespmem:s20+$0x4230];
	v13 =	vshll.u32 v3, $0x10  }
0x65: {  	v10 =	vld [tilespmem:s20+$0x290];
	v3 =	vand.u32 $0xFFFF0000, v3;
	v2 =	vmul.f32 v13, v2  }
0x66: {  	v14 =	vld [tilespmem:s20+$0x4240];
	v3 =	vmul.f32 v3, v6  }
0x67: {  	v13 =	vld [tilespmem:s20+$0x4250];
	[tilespmem:s20+$0x8200] =	vst v2;
	v2 =	vshll.u32 v4, $0x10  }
0x68: {  	v11 =	vld [tilespmem:s20+$0x2A0];
	[tilespmem:s20+$0x8210] =	vst v3;
	v3 =	vand.u32 $0xFFFF0000, v4;
	v2 =	vmul.f32 v2, v7  }
0x69: {  	v15 =	vld [tilespmem:s20+$0x4260];
	v3 =	vmul.f32 v3, v12  }
0x6a: {  	v16 =	vld [tilespmem:s20+$0x4270];
	[tilespmem:s20+$0x8220] =	vst v2;
	v2 =	vshll.u32 v5, $0x10  }
0x6b: {  	v17 =	vld [tilespmem:s20+$0x4280];
	[tilespmem:s20+$0x8230] =	vst v3;
	v3 =	vand.u32 $0xFFFF0000, v5;
	v2 =	vmul.f32 v2, v14  }
0x6c: {  	v12 =	vld [tilespmem:s20+$0x4290];
	v3 =	vmul.f32 v3, v13  }
0x6d: {  	v6 =	vld [tilespmem:s20+$0x42A0];
	[tilespmem:s20+$0x8240] =	vst v2;
	v2 =	vshll.u32 v8, $0x10  }
0x6e: {  	v1 =	vshll.u32 v1, $0x10;
	v7 =	vld [tilespmem:s20+$0x42B0];
	[tilespmem:s20+$0x8250] =	vst v3;
	v3 =	vand.u32 $0xFFFF0000, v8;
	v2 =	vmul.f32 v2, v15  }
0x6f: {  	v14 =	vshll.u32 v9, $0x10;
	v8 =	vld [tilespmem:s20+$0x42C0];
	v13 =	vmul.f32 v3, v16;
	v3 =	vshll.u32 v11, $0x10  }
0x70: {  	v15 =	vand.u32 $0xFFFF0000, v9;
	v9 =	vld [tilespmem:s20+$0x42D0];
	[tilespmem:s20+$0x8260] =	vst v2;
	v2 =	vand.u32 $0xFFFF0000, v11;
	v11 =	vmul.f32 v14, v17  }
0x71: {  	s23 =	simm.s32 $0x100;
	s3 =	simm.s32 $0x800;
	v4 =	vand.u32 $0xFFFF0000, v10;
	v5 =	vshll.u32 v10, $0x10;
	v10 =	vld [tilespmem:s20+$0x42E0];
	[tilespmem:s20+$0x8270] =	vst v13;
	v12 =	vmul.f32 v15, v12  }
.LBB2_8:
0x72: {  	p2 =	sne.s32 s3, $0x7C00;
	v13 =	vld [tilespmem:s23+$0x2B0];
	[tilespmem:s20+$0x8280] =	vst v11;
	v5 =	vmul.f32 v5, v6  }
0x73: {  	v6 =	vld [tilespmem:s23+$0x42F0];
	[tilespmem:s20+$0x8290] =	vst v12;
	v4 =	vmul.f32 v4, v7  }
0x74: {  	v7 =	vld [tilespmem:s23+$0x200];
	[tilespmem:s20+$0x82A0] =	vst v5;
	v3 =	vmul.f32 v3, v8  }
0x75: {  	v5 =	vld [tilespmem:s23+$0x210];
	[tilespmem:s20+$0x82B0] =	vst v4;
	v2 =	vmul.f32 v2, v9  }
0x76: {  	v4 =	vld [tilespmem:s23+$0x220];
	[tilespmem:s20+$0x82C0] =	vst v3;
	v3 =	vmul.f32 v1, v10  }
0x77: {  	v8 =	vld [tilespmem:s23+$0x230];
	v1 =	vshll.u32 v13, $0x10;
	v9 =	vand.u32 $0xFFFF0000, v13;
	[tilespmem:s20+$0x82D0] =	vst v2  }
0x78: {  	v2 =	vld [tilespmem:s23+$0x280];
	v6 =	vmul.f32 v9, v6;
	[tilespmem:s20+$0x82E0] =	vst v3;
	s20 =	smov.u32 s23  }
0x79: {  	v9 =	vshll.u32 v7, $0x10;
	v7 =	vand.u32 $0xFFFF0000, v7;
	v3 =	vld [tilespmem:s20+$0x290]  }
0x7a: {  	v10 =	vshll.u32 v5, $0x10;
	v11 =	vand.u32 $0xFFFF0000, v5;
	v12 =	vld [tilespmem:s20+$0x2A0];
	[tilespmem:s20+$0x82F0] =	vst v6  }
0x7b: {  	v6 =	vld [tilespmem:s20+$0x4200];
	v13 =	vshll.u32 v4, $0x10;
	v14 =	vand.u32 $0xFFFF0000, v4  }
0x7c: {  	v15 =	vld [tilespmem:s20+$0x4210];
	v16 =	vshll.u32 v8, $0x10;
	v8 =	vand.u32 $0xFFFF0000, v8  }
0x7d: {  	v17 =	vld [tilespmem:s20+$0x4220];
	v18 =	vshll.u32 v2, $0x10;
	v19 =	vand.u32 $0xFFFF0000, v2  }
0x7e: {  	v20 =	vld [tilespmem:s20+$0x4230];
	v5 =	vshll.u32 v3, $0x10;
	v4 =	vand.u32 $0xFFFF0000, v3  }
0x7f: {  	v21 =	vld [tilespmem:s20+$0x4240];
	v3 =	vshll.u32 v12, $0x10;
	v2 =	vand.u32 $0xFFFF0000, v12  }
0x80: {  	v6 =	vmul.f32 v9, v6;
	v9 =	vld [tilespmem:s20+$0x4250]  }
0x81: {  	v7 =	vmul.f32 v7, v15;
	v12 =	vld [tilespmem:s20+$0x4260]  }
0x82: {  	[tilespmem:s20+$0x8200] =	vst v6;
	v6 =	vmul.f32 v10, v17;
	v10 =	vld [tilespmem:s20+$0x4270]  }
0x83: {  	[tilespmem:s20+$0x8210] =	vst v7;
	v7 =	vmul.f32 v11, v20;
	v11 =	vld [tilespmem:s20+$0x4280]  }
0x84: {  	[tilespmem:s20+$0x8220] =	vst v6;
	v13 =	vmul.f32 v13, v21;
	v15 =	vld [tilespmem:s20+$0x4290]  }
.Ltmp6:
0x85: {  	[tilespmem:s20+$0x8230] =	vst v7;
	v9 =	vmul.f32 v14, v9;
	v6 =	vld [tilespmem:s20+$0x42A0];
	(pc) =	sbr.rel @p2 .LBB2_8-.Ltmp6, $4  }
0x86: {  	[tilespmem:s20+$0x8240] =	vst v13;
	v12 =	vmul.f32 v16, v12;
	v7 =	vld [tilespmem:s20+$0x42B0]  }
0x87: {  	[tilespmem:s20+$0x8250] =	vst v9;
	v10 =	vmul.f32 v8, v10;
	v8 =	vld [tilespmem:s20+$0x42C0]  }
0x88: {  	[tilespmem:s20+$0x8260] =	vst v12;
	v11 =	vmul.f32 v18, v11;
	v9 =	vld [tilespmem:s20+$0x42D0]  }
0x89: {  	s23 =	sshra.s32 s3, $0x2;
	s3 =	sadd.s32 $0x400, s3;
	[tilespmem:s20+$0x8270] =	vst v10;
	v12 =	vmul.f32 v19, v15;
	v10 =	vld [tilespmem:s20+$0x42E0]  }
0x8a: {  	v13 =	vld [tilespmem:s23+$0x2B0];
	[tilespmem:s20+$0x8280] =	vst v11;
	v5 =	vmul.f32 v5, v6  }
0x8b: {  	v11 =	vld [tilespmem:s23+$0x42F0];
	[tilespmem:s20+$0x8290] =	vst v12;
	v4 =	vmul.f32 v4, v7  }
0x8c: {  	v46 =	vld [tilespmem:s23+$0x200];
	[tilespmem:s20+$0x82A0] =	vst v5;
	v3 =	vmul.f32 v3, v8  }
0x8d: {  	v5 =	vld [tilespmem:s23+$0x210];
	[tilespmem:s20+$0x82B0] =	vst v4;
	v2 =	vmul.f32 v2, v9  }
0x8e: {  	v4 =	vld [tilespmem:s23+$0x220];
	[tilespmem:s20+$0x82C0] =	vst v3;
	v1 =	vmul.f32 v1, v10  }
0x8f: {  	v3 =	vld [tilespmem:s23+$0x230];
	[tilespmem:s20+$0x82D0] =	vst v2;
	v47 =	vand.u32 $0xFFFF0000, v13  }
0x90: {  	v2 =	vld [tilespmem:s23+$0x280];
	[tilespmem:s20+$0x82E0] =	vst v1;
	v1 =	vmul.f32 v47, v11;
	_ =	sdelay $0x1  }
0x91: {  	[tilespmem:s23+$0x82F0] =	vst v1;
	v1 =	vld [tilespmem:s23+$0x4200];
	_ =	sdelay $0x2  }
0x92: {  	v51 =	vld [tilespmem:s23+$0x4220]  }
0x93: {  	v48 =	vld [tilespmem:s23+$0x290];
	v53 =	vshll.u32 v46, $0x10  }
0x94: {  	v49 =	vld [tilespmem:s23+$0x2A0];
	v1 =	vmul.f32 v53, v1  }
0x95: {  	v14 =	vld [tilespmem:s23+$0x4240]  }
0x96: {  	v50 =	vld [tilespmem:s23+$0x4210];
	[tilespmem:s23+$0x8200] =	vst v1;
	v1 =	vshll.u32 v5, $0x10  }
0x97: {  	v52 =	vld [tilespmem:s23+$0x4230];
	v1 =	vmul.f32 v1, v51  }
0x98: {  	v15 =	vld [tilespmem:s23+$0x4260]  }
0x99: {  	v54 =	vld [tilespmem:s23+$0x4250];
	[tilespmem:s23+$0x8220] =	vst v1;
	v1 =	vshll.u32 v4, $0x10  }
0x9a: {  	v6 =	vand.u32 $0xFFFF0000, v46;
	v55 =	vld [tilespmem:s23+$0x4270];
	v1 =	vmul.f32 v1, v14  }
0x9b: {  	v56 =	vld [tilespmem:s23+$0x4280];
	v6 =	vmul.f32 v6, v50;
	v5 =	vand.u32 $0xFFFF0000, v5  }
0x9c: {  	v57 =	vld [tilespmem:s23+$0x4290];
	v5 =	vmul.f32 v5, v52;
	[tilespmem:s23+$0x8240] =	vst v1;
	v1 =	vshll.u32 v3, $0x10  }
0x9d: {  	v58 =	vld [tilespmem:s23+$0x42A0];
	[tilespmem:s23+$0x8210] =	vst v6;
	v4 =	vand.u32 $0xFFFF0000, v4;
	v1 =	vmul.f32 v1, v15  }
0x9e: {  	v59 =	vld [tilespmem:s23+$0x42B0];
	[tilespmem:s23+$0x8230] =	vst v5;
	v4 =	vmul.f32 v4, v54;
	v3 =	vand.u32 $0xFFFF0000, v3  }
0x9f: {  	v60 =	vld [tilespmem:s23+$0x42C0];
	v3 =	vmul.f32 v3, v55;
	[tilespmem:s23+$0x8260] =	vst v1;
	v1 =	vshll.u32 v2, $0x10  }
0xa0: {  	v61 =	vld [tilespmem:s23+$0x42D0];
	[tilespmem:s23+$0x8250] =	vst v4;
	v2 =	vand.u32 $0xFFFF0000, v2;
	v1 =	vmul.f32 v1, v56  }
0xa1: {  	v62 =	vld [tilespmem:s23+$0x42E0];
	[tilespmem:s23+$0x8270] =	vst v3;
	v3 =	vshll.u32 v48, $0x10;
	v2 =	vmul.f32 v2, v57  }
0xa2: {  	v7 =	vand.u32 $0xFFFF0000, v48;
	[tilespmem:s23+$0x8280] =	vst v1;
	v1 =	vmul.f32 v3, v58  }
0xa3: {  	v3 =	vshll.u32 v49, $0x10;
	[tilespmem:s23+$0x8290] =	vst v2;
	v2 =	vmul.f32 v7, v59  }
0xa4: {  	v63 =	vand.u32 $0xFFFF0000, v49;
	[tilespmem:s23+$0x82A0] =	vst v1;
	v1 =	vmul.f32 v3, v60  }
0xa5: {  	v3 =	vshll.u32 v13, $0x10;
	[tilespmem:s23+$0x82B0] =	vst v2;
	v2 =	vmul.f32 v63, v61  }
0xa6: {  	[tilespmem:s23+$0x82C0] =	vst v1;
	v1 =	vmul.f32 v3, v62  }
0xa7: {  	[tilespmem:s23+$0x82D0] =	vst v2  }
0xa8: {  	[tilespmem:s23+$0x82E0] =	vst v1  }
0xa9: {  	[spmem:s5] =	stream.indirect.scatter.add.f32 [tilespmem:s17], [sflag:$0x8], $0x80, s19, s22, $0xb8;
	[tilespmem:$0x1DA80] =	vst v63  }
0xaa: {  	_ =	swait.ge [sflag:s26], $0x2000  }
0xab: {  	[sflag:s26] =	ssyncset.done $0x0  }
0xac: {  	[sflag:s26] =	ssyncadd.s32 $0xFFFFE000  }
.LBB2_10:
0xad: {  	s2 =	sadd.s32 $0x2, s2  }
0xae: {  	p2 =	sge.u32 s2, s9  }
0xaf: {  	s2 =	sshll.u32 @!p2 s2, $0xB  }
0xb0: {  	s2 =	sor.u32 @!p2 s13, s2  }
0xb1: {  	s3 =	sshrl.u32 @!p2 s2, $0x3  }
0xb2: {  	s20 =	simm.s32 @!p2 $0x0;
	s10 =	sadd.s32 @!p2 s1, s3  }
0xb3: {  	[tilespmem:s20], [sflag:$0x1] =	stream.linear.gather @!p2 [hbm4b:s10+s20], $0x40, $0x38;
	[tilespmem:$0x1DA80] =	vst v63  }
0xb4: {  	s2 =	sshll.u32 @!p2 s2, $0x4;
	s3 =	sadd.s32 @!p2 s4, s3;
	s10 =	simm.s32 @!p2 $0x100  }
0xb5: {  	[tilespmem:s10], [sflag:$0x3] =	stream.linear.gather @!p2 [hbm4b:s3+s20], $0x40, $0x38;
	[tilespmem:$0x1DA80] =	vst v63  }
0xb6: {  	s2 =	sadd.s32 @!p2 s7, s2;
	s3 =	simm.s32 @!p2 $0x200  }
0xb7: {  	[tilespmem:s3], [sflag:$0x3] =	stream.linear.gather @!p2 [hbm4b:s2+s20], $0x2000, $0x38;
	[tilespmem:$0x1DA80] =	vst v63  }
.Ltmp7:
0xb8: {  	s2 =	simm.s32 @!p2 $0x1;
	(pc) =	sbr.rel @p1 .LBB2_14-.Ltmp7, $4  }
0xb9: {  	_ =	swait.ge @!p2 [sflag:s2], $0x40  }
0xba: {  	[sflag:s2] =	ssyncset.done @!p2 $0x0  }
0xbb: {  	s3 =	simm.s32 @!p2 $0x4200;
	[sflag:s2] =	ssyncadd.s32 @!p2 $0xFFFFFFC0;
	s2 =	simm.s32 @!p2 $0x40  }
0xbc: {  	[tilespmem:s3], [sflag:$0x5] =	stream.indirect.gather @!p2 [hbm4b:s0+s2], $0x80, s20, s2, $0xb8;
	[tilespmem:$0x1DA80] =	vst v63  }
0xbd: {  	_ =	swait.ge [sflag:s28], $0x40  }
0xbe: {  	[sflag:s28] =	ssyncset.done $0x0  }
0xbf: {  	[sflag:s28] =	ssyncadd.s32 $0xFFFFFFC0  }
0xc0: {  	_ =	swait.ge [sflag:s28], $0x2000  }
0xc1: {  	[sflag:s28] =	ssyncset.done $0x0  }
0xc2: {  	[sflag:s28] =	ssyncadd.s32 $0xFFFFE000  }
0xc3: {  	_ =	swait.ge [sflag:s29], $0x2000  }
0xc4: {  	[sflag:s29] =	ssyncset.done $0x0  }
0xc5: {  	s2 =	simm.s32 $0x0;
	[sflag:s29] =	ssyncadd.s32 $0xFFFFE000  }
0xc6: {  	v1 =	vld [tilespmem:s2+$0x22B0]  }
0xc7: {  	v2 =	vld [tilespmem:s2+$0x62F0];
	_ =	sdelay $0x2  }
0xc8: {  	v3 =	vld [tilespmem:s2+$0x2200]  }
0xc9: {  	v4 =	vld [tilespmem:s2+$0x2210];
	v6 =	vand.u32 $0xFFFF0000, v1  }
0xca: {  	v5 =	vld [tilespmem:s2+$0x2220];
	v2 =	vmul.f32 v6, v2  }
0xcb: {  	v8 =	vld [tilespmem:s2+$0x2230]  }
0xcc: {  	[tilespmem:s2+$0x82F0] =	vst v2;
	v2 =	vld [tilespmem:s2+$0x6200]  }
0xcd: {  	v6 =	vld [tilespmem:s2+$0x6210]  }
0xce: {  	v9 =	vld [tilespmem:s2+$0x2280]  }
0xcf: {  	v7 =	vld [tilespmem:s2+$0x6220]  }
0xd0: {  	v12 =	vld [tilespmem:s2+$0x6230];
	v13 =	vshll.u32 v3, $0x10  }
0xd1: {  	v10 =	vld [tilespmem:s2+$0x2290];
	v3 =	vand.u32 $0xFFFF0000, v3;
	v2 =	vmul.f32 v13, v2  }
0xd2: {  	v14 =	vld [tilespmem:s2+$0x6240];
	v3 =	vmul.f32 v3, v6  }
0xd3: {  	v13 =	vld [tilespmem:s2+$0x6250];
	[tilespmem:s2+$0x8200] =	vst v2;
	v2 =	vshll.u32 v4, $0x10  }
0xd4: {  	v11 =	vld [tilespmem:s2+$0x22A0];
	[tilespmem:s2+$0x8210] =	vst v3;
	v3 =	vand.u32 $0xFFFF0000, v4;
	v2 =	vmul.f32 v2, v7  }
0xd5: {  	v15 =	vld [tilespmem:s2+$0x6260];
	v3 =	vmul.f32 v3, v12  }
0xd6: {  	v16 =	vld [tilespmem:s2+$0x6270];
	[tilespmem:s2+$0x8220] =	vst v2;
	v2 =	vshll.u32 v5, $0x10  }
0xd7: {  	v17 =	vld [tilespmem:s2+$0x6280];
	[tilespmem:s2+$0x8230] =	vst v3;
	v3 =	vand.u32 $0xFFFF0000, v5;
	v2 =	vmul.f32 v2, v14  }
0xd8: {  	v12 =	vld [tilespmem:s2+$0x6290];
	v3 =	vmul.f32 v3, v13  }
0xd9: {  	v6 =	vld [tilespmem:s2+$0x62A0];
	[tilespmem:s2+$0x8240] =	vst v2;
	v2 =	vshll.u32 v8, $0x10  }
0xda: {  	v1 =	vshll.u32 v1, $0x10;
	v7 =	vld [tilespmem:s2+$0x62B0];
	[tilespmem:s2+$0x8250] =	vst v3;
	v3 =	vand.u32 $0xFFFF0000, v8;
	v2 =	vmul.f32 v2, v15  }
0xdb: {  	v14 =	vshll.u32 v9, $0x10;
	v8 =	vld [tilespmem:s2+$0x62C0];
	v13 =	vmul.f32 v3, v16;
	v3 =	vshll.u32 v11, $0x10  }
0xdc: {  	v15 =	vand.u32 $0xFFFF0000, v9;
	v9 =	vld [tilespmem:s2+$0x62D0];
	[tilespmem:s2+$0x8260] =	vst v2;
	v2 =	vand.u32 $0xFFFF0000, v11;
	v11 =	vmul.f32 v14, v17  }
0xdd: {  	s20 =	simm.s32 $0x100;
	s3 =	simm.s32 $0x800;
	v4 =	vand.u32 $0xFFFF0000, v10;
	v5 =	vshll.u32 v10, $0x10;
	v10 =	vld [tilespmem:s2+$0x62E0];
	[tilespmem:s2+$0x8270] =	vst v13;
	v12 =	vmul.f32 v15, v12  }
.LBB2_12:
0xde: {  	p1 =	sne.s32 s3, $0x7C00;
	v13 =	vld [tilespmem:s20+$0x22B0];
	[tilespmem:s2+$0x8280] =	vst v11;
	v5 =	vmul.f32 v5, v6  }
0xdf: {  	v6 =	vld [tilespmem:s20+$0x62F0];
	[tilespmem:s2+$0x8290] =	vst v12;
	v4 =	vmul.f32 v4, v7  }
0xe0: {  	v7 =	vld [tilespmem:s20+$0x2200];
	[tilespmem:s2+$0x82A0] =	vst v5;
	v3 =	vmul.f32 v3, v8  }
0xe1: {  	v5 =	vld [tilespmem:s20+$0x2210];
	[tilespmem:s2+$0x82B0] =	vst v4;
	v2 =	vmul.f32 v2, v9  }
0xe2: {  	v4 =	vld [tilespmem:s20+$0x2220];
	[tilespmem:s2+$0x82C0] =	vst v3;
	v3 =	vmul.f32 v1, v10  }
0xe3: {  	v8 =	vld [tilespmem:s20+$0x2230];
	v1 =	vshll.u32 v13, $0x10;
	v9 =	vand.u32 $0xFFFF0000, v13;
	[tilespmem:s2+$0x82D0] =	vst v2  }
0xe4: {  	v2 =	vld [tilespmem:s20+$0x2280];
	v6 =	vmul.f32 v9, v6;
	[tilespmem:s2+$0x82E0] =	vst v3;
	s2 =	smov.u32 s20  }
0xe5: {  	v9 =	vshll.u32 v7, $0x10;
	v7 =	vand.u32 $0xFFFF0000, v7;
	v3 =	vld [tilespmem:s2+$0x2290]  }
0xe6: {  	v10 =	vshll.u32 v5, $0x10;
	v11 =	vand.u32 $0xFFFF0000, v5;
	v12 =	vld [tilespmem:s2+$0x22A0];
	[tilespmem:s2+$0x82F0] =	vst v6  }
0xe7: {  	v6 =	vld [tilespmem:s2+$0x6200];
	v13 =	vshll.u32 v4, $0x10;
	v14 =	vand.u32 $0xFFFF0000, v4  }
0xe8: {  	v15 =	vld [tilespmem:s2+$0x6210];
	v16 =	vshll.u32 v8, $0x10;
	v8 =	vand.u32 $0xFFFF0000, v8  }
0xe9: {  	v17 =	vld [tilespmem:s2+$0x6220];
	v18 =	vshll.u32 v2, $0x10;
	v19 =	vand.u32 $0xFFFF0000, v2  }
0xea: {  	v20 =	vld [tilespmem:s2+$0x6230];
	v5 =	vshll.u32 v3, $0x10;
	v4 =	vand.u32 $0xFFFF0000, v3  }
0xeb: {  	v21 =	vld [tilespmem:s2+$0x6240];
	v3 =	vshll.u32 v12, $0x10;
	v2 =	vand.u32 $0xFFFF0000, v12  }
0xec: {  	v6 =	vmul.f32 v9, v6;
	v9 =	vld [tilespmem:s2+$0x6250]  }
0xed: {  	v7 =	vmul.f32 v7, v15;
	v12 =	vld [tilespmem:s2+$0x6260]  }
0xee: {  	[tilespmem:s2+$0x8200] =	vst v6;
	v6 =	vmul.f32 v10, v17;
	v10 =	vld [tilespmem:s2+$0x6270]  }
0xef: {  	[tilespmem:s2+$0x8210] =	vst v7;
	v7 =	vmul.f32 v11, v20;
	v11 =	vld [tilespmem:s2+$0x6280]  }
0xf0: {  	[tilespmem:s2+$0x8220] =	vst v6;
	v13 =	vmul.f32 v13, v21;
	v15 =	vld [tilespmem:s2+$0x6290]  }
.Ltmp8:
0xf1: {  	[tilespmem:s2+$0x8230] =	vst v7;
	v9 =	vmul.f32 v14, v9;
	v6 =	vld [tilespmem:s2+$0x62A0];
	(pc) =	sbr.rel @p1 .LBB2_12-.Ltmp8, $4  }
0xf2: {  	[tilespmem:s2+$0x8240] =	vst v13;
	v12 =	vmul.f32 v16, v12;
	v7 =	vld [tilespmem:s2+$0x62B0]  }
0xf3: {  	[tilespmem:s2+$0x8250] =	vst v9;
	v10 =	vmul.f32 v8, v10;
	v8 =	vld [tilespmem:s2+$0x62C0]  }
0xf4: {  	[tilespmem:s2+$0x8260] =	vst v12;
	v11 =	vmul.f32 v18, v11;
	v9 =	vld [tilespmem:s2+$0x62D0]  }
0xf5: {  	s20 =	sshra.s32 s3, $0x2;
	s3 =	sadd.s32 $0x400, s3;
	[tilespmem:s2+$0x8270] =	vst v10;
	v12 =	vmul.f32 v19, v15;
	v10 =	vld [tilespmem:s2+$0x62E0]  }
0xf6: {  	v13 =	vld [tilespmem:s20+$0x22B0];
	[tilespmem:s2+$0x8280] =	vst v11;
	v5 =	vmul.f32 v5, v6  }
0xf7: {  	v11 =	vld [tilespmem:s20+$0x62F0];
	[tilespmem:s2+$0x8290] =	vst v12;
	v4 =	vmul.f32 v4, v7  }
0xf8: {  	v46 =	vld [tilespmem:s20+$0x2200];
	[tilespmem:s2+$0x82A0] =	vst v5;
	v3 =	vmul.f32 v3, v8  }
0xf9: {  	v5 =	vld [tilespmem:s20+$0x2210];
	[tilespmem:s2+$0x82B0] =	vst v4;
	v2 =	vmul.f32 v2, v9  }
0xfa: {  	v4 =	vld [tilespmem:s20+$0x2220];
	[tilespmem:s2+$0x82C0] =	vst v3;
	v1 =	vmul.f32 v1, v10  }
0xfb: {  	v3 =	vld [tilespmem:s20+$0x2230];
	[tilespmem:s2+$0x82D0] =	vst v2;
	v47 =	vand.u32 $0xFFFF0000, v13  }
0xfc: {  	v2 =	vld [tilespmem:s20+$0x2280];
	[tilespmem:s2+$0x82E0] =	vst v1;
	v1 =	vmul.f32 v47, v11;
	_ =	sdelay $0x1  }
0xfd: {  	[tilespmem:s20+$0x82F0] =	vst v1;
	v1 =	vld [tilespmem:s20+$0x6200];
	_ =	sdelay $0x2  }
0xfe: {  	v51 =	vld [tilespmem:s20+$0x6220]  }
0xff: {  	v48 =	vld [tilespmem:s20+$0x2290];
	v53 =	vshll.u32 v46, $0x10  }
0x100: {  	v49 =	vld [tilespmem:s20+$0x22A0];
	v1 =	vmul.f32 v53, v1  }
0x101: {  	v14 =	vld [tilespmem:s20+$0x6240]  }
0x102: {  	v50 =	vld [tilespmem:s20+$0x6210];
	[tilespmem:s20+$0x8200] =	vst v1;
	v1 =	vshll.u32 v5, $0x10  }
0x103: {  	v52 =	vld [tilespmem:s20+$0x6230];
	v1 =	vmul.f32 v1, v51  }
0x104: {  	v15 =	vld [tilespmem:s20+$0x6260]  }
0x105: {  	v54 =	vld [tilespmem:s20+$0x6250];
	[tilespmem:s20+$0x8220] =	vst v1;
	v1 =	vshll.u32 v4, $0x10  }
0x106: {  	v6 =	vand.u32 $0xFFFF0000, v46;
	v55 =	vld [tilespmem:s20+$0x6270];
	v1 =	vmul.f32 v1, v14  }
0x107: {  	v56 =	vld [tilespmem:s20+$0x6280];
	v6 =	vmul.f32 v6, v50;
	v5 =	vand.u32 $0xFFFF0000, v5  }
0x108: {  	v57 =	vld [tilespmem:s20+$0x6290];
	v5 =	vmul.f32 v5, v52;
	[tilespmem:s20+$0x8240] =	vst v1;
	v1 =	vshll.u32 v3, $0x10  }
0x109: {  	v58 =	vld [tilespmem:s20+$0x62A0];
	[tilespmem:s20+$0x8210] =	vst v6;
	v4 =	vand.u32 $0xFFFF0000, v4;
	v1 =	vmul.f32 v1, v15  }
0x10a: {  	v59 =	vld [tilespmem:s20+$0x62B0];
	[tilespmem:s20+$0x8230] =	vst v5;
	v4 =	vmul.f32 v4, v54;
	v3 =	vand.u32 $0xFFFF0000, v3  }
0x10b: {  	v60 =	vld [tilespmem:s20+$0x62C0];
	v3 =	vmul.f32 v3, v55;
	[tilespmem:s20+$0x8260] =	vst v1;
	v1 =	vshll.u32 v2, $0x10  }
0x10c: {  	v61 =	vld [tilespmem:s20+$0x62D0];
	[tilespmem:s20+$0x8250] =	vst v4;
	v2 =	vand.u32 $0xFFFF0000, v2;
	v1 =	vmul.f32 v1, v56  }
0x10d: {  	v62 =	vld [tilespmem:s20+$0x62E0];
	[tilespmem:s20+$0x8270] =	vst v3;
	v3 =	vshll.u32 v48, $0x10;
	v2 =	vmul.f32 v2, v57  }
0x10e: {  	v7 =	vand.u32 $0xFFFF0000, v48;
	[tilespmem:s20+$0x8280] =	vst v1;
	v1 =	vmul.f32 v3, v58  }
0x10f: {  	v3 =	vshll.u32 v49, $0x10;
	[tilespmem:s20+$0x8290] =	vst v2;
	v2 =	vmul.f32 v7, v59  }
0x110: {  	v63 =	vand.u32 $0xFFFF0000, v49;
	[tilespmem:s20+$0x82A0] =	vst v1;
	v1 =	vmul.f32 v3, v60  }
0x111: {  	v3 =	vshll.u32 v13, $0x10;
	[tilespmem:s20+$0x82B0] =	vst v2;
	v2 =	vmul.f32 v63, v61  }
0x112: {  	[tilespmem:s20+$0x82C0] =	vst v1;
	v1 =	vmul.f32 v3, v62  }
0x113: {  	[tilespmem:s20+$0x82D0] =	vst v2  }
.Ltmp9:
0x114: {  	[tilespmem:s20+$0x82E0] =	vst v1;
	(pc) =	sbr.rel .LBB2_14-.Ltmp9, $4  }
0x115: {  	[spmem:s5] =	stream.indirect.scatter.add.f32 [tilespmem:s17], [sflag:$0x7], $0x80, s30, s22, $0xb8;
	[tilespmem:$0x1DA80] =	vst v63  }
0x116: {  	_ =	swait.ge [sflag:s18], $0x2000  }
0x117: {  	[sflag:s18] =	ssyncset.done $0x0  }
0x118: {  	[sflag:s18] =	ssyncadd.s32 $0xFFFFE000  }
.LBB2_15:
.Ltmp10:
0x119: {  	s2 =	stileid.u32;
	(pc) =	sbr.rel @!p0 .LBB2_17-.Ltmp10, $4  }
0x11a: {  	[bflag:$0x0] =	sbarrier.arrive $0xFFFF;
	s2 =	sshll.u32 s2, $0x6  }
0x11b: {  	s3 =	sshrl.u32 s15, $0x3;
	s20 =	sadd.s32 $0x2800, s16;
	s2 =	sor.u32 $0x1C07, s2  }
0x11c: {  	[hbm:s16], [sflag:s2] =	dma.local [spmem:s3], $0x280  }
0x11d: {  	s23 =	smov.u32 s15;
	s3 =	sadd.s32 $0xFFFFFFFF, s8;
	_ =	swait.ge [sflag:s18], $0x280  }
.LBB2_16:
0x11e: {  	[sflag:s18] =	ssyncset.done $0x0;
	s23 =	sadd.s32 $0x14000, s23;
	p0 =	sne.s32 s3, $0x1  }
.Ltmp11:
0x11f: {  	s10 =	sshrl.u32 s23, $0x3;
	[sflag:s18] =	ssyncadd.s32 $0xFFFFFD80;
	(pc) =	sbr.rel @p0 .LBB2_16-.Ltmp11, $3  }
0x120: {  	[hbm:s20], [sflag:s2] =	dma.local [spmem:s10], $0x280  }
0x121: {  	s3 =	sadd.s32 $0xFFFFFFFF, s3;
	_ =	sdelay $0x1  }
0x122: {  	s20 =	sadd.s32 $0x2800, s20;
	_ =	swait.ge [sflag:s18], $0x280  }
.LBB2_17:
0x123: {  	s6 =	sadd.s32 $0x1, s6  }
0x124: {  	p0 =	sne.s32 s6, s14  }
.Ltmp12:
0x125: {  	_ = 	snop;
	(pc) =	sbr.rel @p0 .LBB2_1-.Ltmp12, $3  }
0x126: {  	_ =	sdelay $0x1  }
0x127: {  	[sflag:s18] =	ssyncset.done $0x0  }
0x128: {  	[sflag:s18] =	ssyncadd.s32 $0xFFFFFD80  }
0x129: {  	_ =	sfence.sel $0x180000  }
0x12a: {  	[bflag:$0x0] =	sbarrier.arrive $0xFFFF  }
0x12b: {  	_ =	strace $0x90000047  }
0x12c: {  	s0 =	stileid.u32;
	[bflag:$0x2] =	sbarrier.arrive $0xFFFF  }
0x12d: {  	p0 =	sne.s32 s0, $0x0;
	s0 =	rddreg [dreg:$0x5]  }
0x12e: {  	s0 =	sadd.s32 @!p0 $0x100000, s0  }
0x12f: {  	[sflag:s0] =	ssyncadd.tile.s32 @!p0 $0x1;
	_ =	shalt  }
.Lfunc_end2:
_tile_overlayer_lowered:
.L_overlay_start_2:
0x130: {  	(tag) =	ssettag $0x2  }
0x131: {  	s0 =	rddreg [dreg:$0x0];
	s2 =	stileid.u32  }
0x132: {  	s1 =	rddreg [dreg:$0x1];
	p0 =	sne.s32 s2, $0x0  }
0x133: {  	s3 =	rddreg [dreg:$0x2];
	[bflag:$0x3] =	sbarrier.arrive $0xFFFF;
	s2 =	simm.s32 @!p0 $0x1C07  }
0x134: {  	[timem:s3], [sflag:s2] =	dma.local @!p0 [hbm:s0], s1  }
0x135: {  	s0 =	simm.s32 @!p0 $0x7  }
0x136: {  	_ =	swait.ge @!p0 [sflag:s0], s1  }
0x137: {  	s1 =	ssub.s32 @!p0 $0x0, s1;
	[sflag:s0] =	ssyncset.done @!p0 $0x0  }
0x138: {  	[sflag:s0] =	ssyncadd.s32 @!p0 s1  }
0x139: {  	[bflag:$0x3] =	sbarrier.arrive $0xFFFF  }
0x13a: {  	_ =	shalt  }

</sc_bundles>
